<compile_context>
chip_gen: v7x
topology: tpu7x:2x2x1
jax: 0.10.2.dev20260603
libtpu: 0.0.44.dev20260713+nightly
codegen_flags: <defaults>
</compile_context>

<pallas_src>
import functools

import jax
import jax.numpy as jnp
from jax import lax
from jax.experimental import pallas as pl
from jax.experimental.pallas import tpu as pltpu
from jax.experimental.pallas import tpu_sc as plsc

VOCAB = 1000000
EMBED = 16
L = 200
B = 16384

GPR = 128 // EMBED
EROW = VOCAB // GPR
RPB = 1024
NTB = -(-EROW // RPB)
TLEN = NTB * RPB * GPR

NC = 2
NS = 16
NW = NC * NS
CPT = B // NW
CH = 128
NCH = CPT // CH
NCHUNK = NW * NCH
TSH = TLEN // NS


def _tbuild_body(emb_ref, w_ref, b_ref, out_ref):
    t = (
        jnp.dot(emb_ref[...], w_ref[...], preferred_element_type=jnp.float32)
        + b_ref[0, 0]
    )

    @pl.when(pl.program_id(0) == 0)
    def _():
        r = lax.broadcasted_iota(jnp.int32, (RPB, GPR), 0)
        c = lax.broadcasted_iota(jnp.int32, (RPB, GPR), 1)
        out_ref[...] = jnp.where((r == 0) & (c == 0), b_ref[0, 0], t)

    @pl.when(pl.program_id(0) != 0)
    def _():
        out_ref[...] = t


def _tbuild(emb128, wbig, b11):
    return pl.pallas_call(
        _tbuild_body,
        grid=(NTB,),
        in_specs=[
            pl.BlockSpec((RPB, 128), lambda i: (i, 0)),
            pl.BlockSpec((128, GPR), lambda i: (0, 0)),
            pl.BlockSpec(memory_space=pltpu.SMEM),
        ],
        out_specs=pl.BlockSpec((RPB, GPR), lambda i: (i, 0)),
        out_shape=jax.ShapeDtypeStruct((NTB * RPB, GPR), jnp.float32),
    )(emb128, wbig, b11)


CPB = 8


def _relayout_body(x_ref, out_ref):
    for j in range(CPB):
        out_ref[pl.ds(j * L, L), :] = x_ref[:, pl.ds(j * CH, CH)]


def _relayout(x):
    return pl.pallas_call(
        _relayout_body,
        grid=(NCHUNK // CPB,),
        in_specs=[pl.BlockSpec((L, CPB * CH), lambda i: (0, i))],
        out_specs=pl.BlockSpec((CPB * L, CH), lambda i: (i, 0)),
        out_shape=jax.ShapeDtypeStruct((NCHUNK * L, CH), jnp.int32),
    )(x)


def _sc_pool(t, xr):
    mesh = plsc.VectorSubcoreMesh(core_axis_name="c", subcore_axis_name="s")

    @functools.partial(
        pl.kernel,
        out_type=jax.ShapeDtypeStruct((B,), jnp.float32),
        mesh=mesh,
        scratch_types=[
            pltpu.VMEM_SHARED((TLEN,), jnp.float32),
            pltpu.VMEM((L * CH,), jnp.int32),
            pltpu.VMEM((L * CH,), jnp.float32),
            pltpu.VMEM((CH,), jnp.float32),
            pltpu.SemaphoreType.DMA,
            pltpu.SemaphoreType.DMA,
            pltpu.SemaphoreType.DMA,
        ],
    )
    def run(t_hbm, xr_hbm, out_hbm, t_sh, idx_v, val_v, o_v, tsem, isem, gsem):
        cid = lax.axis_index("c")
        sid = lax.axis_index("s")
        wid = sid * NC + cid
        base = wid * CPT

        tcopy = pltpu.async_copy(
            t_hbm.at[pl.ds(sid * TSH, TSH)],
            t_sh.at[pl.ds(sid * TSH, TSH)],
            tsem,
        )

        def stage(i):
            return pltpu.async_copy(
                xr_hbm.at[pl.ds((wid * NCH + i) * L * CH, L * CH)],
                idx_v,
                isem,
            )

        pending = stage(0)
        tcopy.wait()
        plsc.subcore_barrier()

        for i in range(NCH):
            pending.wait()
            pltpu.async_copy(t_sh.at[idx_v], val_v, gsem).wait()
            pending = stage(i + 1) if i + 1 < NCH else None

            def lbody(l, accs):
                return tuple(
                    accs[k] + val_v[pl.ds(l * CH + k * 16, 16)]
                    for k in range(CH // 16)
                )

            accs = lax.fori_loop(
                0, L, lbody,
                tuple(jnp.zeros((16,), jnp.float32) for _ in range(CH // 16)),
            )
            for k in range(CH // 16):
                z = accs[k] * (1.0 / L)
                o_v[pl.ds(k * 16, 16)] = 1.0 / (1.0 + jnp.exp(-z))
            pltpu.sync_copy(o_v, out_hbm.at[pl.ds(base + i * CH, CH)])

    return run(t, xr)


def kernel(x, emb_table, fc_w, fc_b):
    w = fc_w.reshape(-1).astype(jnp.float32)
    r = jnp.arange(128)
    wbig = (
        jnp.zeros((128, GPR), jnp.float32)
        .at[r, r // EMBED]
        .set(w[r % EMBED])
    )
    emb128 = emb_table.astype(jnp.float32).reshape(EROW, 128)
    t = _tbuild(emb128, wbig, fc_b.reshape(1, 1).astype(jnp.float32))
    xr = _relayout(x.astype(jnp.int32))
    return _sc_pool(t.reshape(-1), xr.reshape(-1))

# --- scband reference (transcript-rebuilt; emitter-appended) ---
"""Pipeline reference for scband-baseline-model-87325275062288 (READ-ONLY COPY).

The authoritative reference and input builder live on the scoring server;
editing this copy changes nothing except your own understanding.
"""

import jax, jax.numpy as jnp
import numpy as np

VOCAB = 1000000
EMBED = 16
L = 200
B = 16384

def setup_inputs(seed: int = 0) -> dict:
    key = jax.random.key(seed)
    k1, k2, k3, k4 = jax.random.split(key, 4)
    x = jax.random.randint(k1, (L, B), 0, VOCAB, dtype=jnp.int64) if jax.config.jax_enable_x64 else jax.random.randint(k1, (L, B), 0, VOCAB, dtype=jnp.int32)
    emb_table = jax.random.normal(k2, (VOCAB, EMBED), dtype=jnp.float32)
    emb_table = emb_table.at[0].set(0.0)  # padding_idx=0
    fc_w = jax.random.normal(k3, (1, EMBED), dtype=jnp.float32) * (1.0 / np.sqrt(EMBED))
    fc_b = jax.random.normal(k4, (1,), dtype=jnp.float32) * 0.01
    return {"x": x, "emb_table": emb_table, "fc_w": fc_w, "fc_b": fc_b}

def reference(x, emb_table, fc_w, fc_b):
    # nn.Embedding with padding_idx=0: row 0 is zero
    table = emb_table.at[0].set(0.0)
    emb = jnp.take(table, x, axis=0)          # [L, B, D]
    emb = emb.mean(axis=0)                    # [B, D]
    out = emb @ fc_w.T + fc_b                 # [B, 1]
    out = jnp.squeeze(out, axis=1)            # [B]
    return jax.nn.sigmoid(out)

if __name__ == "__main__":
    import jax
    _d = setup_inputs()
    print(jax.jit(kernel)(*tuple(_d.values())))

</pallas_src>

<mosaic_0001>
#map = affine_map<(d0, d1) -> (0)>
module attributes {stable_mosaic.version = 14 : i64} {
  func.func @run(%arg0: i32, %arg1: i32, %arg2: memref<1007616xf32, #tpu.memory_space<hbm>>, %arg3: memref<3276800xi32, #tpu.memory_space<hbm>>, %arg4: memref<16384xf32, #tpu.memory_space<hbm>>, %arg5: memref<1007616xf32, #tpu.memory_space<vmem_shared>>, %arg6: memref<25600xi32, #tpu.memory_space<vmem>>, %arg7: memref<25600xf32, #tpu.memory_space<vmem>>, %arg8: memref<128xf32, #tpu.memory_space<vmem>>, %arg9: memref<!tpu.dma_semaphore, #tpu.memory_space<semaphore_mem>>, %arg10: memref<!tpu.dma_semaphore, #tpu.memory_space<semaphore_mem>>, %arg11: memref<!tpu.dma_semaphore, #tpu.memory_space<semaphore_mem>>) attributes {dimension_semantics = [#tpu.dimension_semantics<core_parallel>, #tpu.dimension_semantics<subcore_parallel>], iteration_bounds = array<i64: 2, 16>, scalar_prefetch = 0 : i64, scratch_operands = 7 : i64, tpu.core_type = #tpu.core_type<sc_vector_subcore>, window_params = [{transform_indices = #map}, {transform_indices = #map}, {transform_indices = #map}]} {
    %mul3A = arith.constant 2 : i32
    %mul3A_0 = arith.muli %arg1, %mul3A : i32
    %add3A = arith.addi %mul3A_0, %arg0 : i32
    %mul3A_1 = arith.constant 512 : i32
    %mul3A_2 = arith.muli %add3A, %mul3A_1 : i32
    %mul3A_3 = arith.constant 62976 : i32
    %mul3A_4 = arith.muli %arg1, %mul3A_3 : i32
    %mul3A_5 = arith.constant 62976 : i32
    %mul3A_6 = arith.muli %arg1, %mul3A_5 : i32
    %dma_start3A = tpu.memref_slice %arg5[%mul3A_6] : memref<1007616xf32, #tpu.memory_space<vmem_shared>> -> memref<62976xf32, #tpu.memory_space<vmem_shared>>
    %dma_start3A_7 = tpu.memref_slice %arg2[%mul3A_4] : memref<1007616xf32, #tpu.memory_space<hbm>> -> memref<62976xf32, #tpu.memory_space<hbm>>
    tpu.enqueue_dma source(%dma_start3A_7 : memref<62976xf32, #tpu.memory_space<hbm>>) target(%dma_start3A : memref<62976xf32, #tpu.memory_space<vmem_shared>>) target_semaphore(%arg9 : memref<!tpu.dma_semaphore, #tpu.memory_space<semaphore_mem>>)
    %mul3A_8 = arith.constant 4 : i32
    %mul3A_9 = arith.muli %add3A, %mul3A_8 : i32
    %add3A_10 = arith.constant 0 : i32
    %add3A_11 = arith.addi %mul3A_9, %add3A_10 : i32
    %mul3A_12 = arith.constant 200 : i32
    %mul3A_13 = arith.muli %add3A_11, %mul3A_12 : i32
    %mul3A_14 = arith.constant 128 : i32
    %mul3A_15 = arith.muli %mul3A_13, %mul3A_14 : i32
    %dma_start3A_16 = tpu.memref_slice %arg3[%mul3A_15] : memref<3276800xi32, #tpu.memory_space<hbm>> -> memref<25600xi32, #tpu.memory_space<hbm>>
    %dma_start3A_17 = tpu.memref_slice %arg3[%mul3A_15] : memref<3276800xi32, #tpu.memory_space<hbm>> -> memref<25600xi32, #tpu.memory_space<hbm>>
    tpu.enqueue_dma source(%dma_start3A_17 : memref<25600xi32, #tpu.memory_space<hbm>>) target(%arg6 : memref<25600xi32, #tpu.memory_space<vmem>>) target_semaphore(%arg10 : memref<!tpu.dma_semaphore, #tpu.memory_space<semaphore_mem>>)
    %dma_wait3A = tpu.memref_slice %arg5[%mul3A_6] : memref<1007616xf32, #tpu.memory_space<vmem_shared>> -> memref<62976xf32, #tpu.memory_space<vmem_shared>>
    %dma_wait3A_18 = tpu.memref_slice %arg2[%mul3A_4] : memref<1007616xf32, #tpu.memory_space<hbm>> -> memref<62976xf32, #tpu.memory_space<hbm>>
    tpu.wait_dma2 semaphore(%arg9 : memref<!tpu.dma_semaphore, #tpu.memory_space<semaphore_mem>>) src(%dma_wait3A_18 : memref<62976xf32, #tpu.memory_space<hbm>>) dst(%dma_wait3A : memref<62976xf32, #tpu.memory_space<vmem_shared>>)
    %barrier3A = arith.constant 0 : index
    tpu.barrier barrier_id(%barrier3A)
    %dma_wait3A_19 = tpu.memref_slice %arg3[%mul3A_15] : memref<3276800xi32, #tpu.memory_space<hbm>> -> memref<25600xi32, #tpu.memory_space<hbm>>
    %dma_wait3A_20 = tpu.memref_slice %arg3[%mul3A_15] : memref<3276800xi32, #tpu.memory_space<hbm>> -> memref<25600xi32, #tpu.memory_space<hbm>>
    tpu.wait_dma2 semaphore(%arg10 : memref<!tpu.dma_semaphore, #tpu.memory_space<semaphore_mem>>) src(%dma_wait3A_20 : memref<25600xi32, #tpu.memory_space<hbm>>) dst(%arg6 : memref<25600xi32, #tpu.memory_space<vmem>>)
    %dma_start3A_21 = arith.constant 0 : i32
    %dma_start3A_22 = tpu.memref_slice %arg5[%dma_start3A_21] : memref<1007616xf32, #tpu.memory_space<vmem_shared>> -> memref<1007616xf32, #tpu.memory_space<vmem_shared>>
    tpu.enqueue_indirect_dma source(%dma_start3A_22 : memref<1007616xf32, #tpu.memory_space<vmem_shared>>) target(%arg7 : memref<25600xf32, #tpu.memory_space<vmem>>) offsets(%arg6 : memref<25600xi32, #tpu.memory_space<vmem>>) semaphore(%arg11 : memref<!tpu.dma_semaphore, #tpu.memory_space<semaphore_mem>>)
    %dma_wait3A_23 = arith.constant 0 : i32
    %dma_wait3A_24 = tpu.memref_slice %arg5[%dma_wait3A_23] : memref<1007616xf32, #tpu.memory_space<vmem_shared>> -> memref<1007616xf32, #tpu.memory_space<vmem_shared>>
    tpu.wait_indirect_dma semaphore(%arg11 : memref<!tpu.dma_semaphore, #tpu.memory_space<semaphore_mem>>) src(%dma_wait3A_24 : memref<1007616xf32, #tpu.memory_space<vmem_shared>>) dst(%arg7 : memref<25600xf32, #tpu.memory_space<vmem>>)
    %mul3A_25 = arith.constant 4 : i32
    %mul3A_26 = arith.muli %add3A, %mul3A_25 : i32
    %add3A_27 = arith.constant 1 : i32
    %add3A_28 = arith.addi %mul3A_26, %add3A_27 : i32
    %mul3A_29 = arith.constant 200 : i32
    %mul3A_30 = arith.muli %add3A_28, %mul3A_29 : i32
    %mul3A_31 = arith.constant 128 : i32
    %mul3A_32 = arith.muli %mul3A_30, %mul3A_31 : i32
    %dma_start3A_33 = tpu.memref_slice %arg3[%mul3A_32] : memref<3276800xi32, #tpu.memory_space<hbm>> -> memref<25600xi32, #tpu.memory_space<hbm>>
    %dma_start3A_34 = tpu.memref_slice %arg3[%mul3A_32] : memref<3276800xi32, #tpu.memory_space<hbm>> -> memref<25600xi32, #tpu.memory_space<hbm>>
    tpu.enqueue_dma source(%dma_start3A_34 : memref<25600xi32, #tpu.memory_space<hbm>>) target(%arg6 : memref<25600xi32, #tpu.memory_space<vmem>>) target_semaphore(%arg10 : memref<!tpu.dma_semaphore, #tpu.memory_space<semaphore_mem>>)
    %broadcast_in_dim3A = arith.constant 0.000000e+00 : f32
    %broadcast_in_dim3A_35 = vector.broadcast %broadcast_in_dim3A : f32 to vector<16xf32>
    %broadcast_in_dim3A_36 = arith.constant 0.000000e+00 : f32
    %broadcast_in_dim3A_37 = vector.broadcast %broadcast_in_dim3A_36 : f32 to vector<16xf32>
    %broadcast_in_dim3A_38 = arith.constant 0.000000e+00 : f32
    %broadcast_in_dim3A_39 = vector.broadcast %broadcast_in_dim3A_38 : f32 to vector<16xf32>
    %broadcast_in_dim3A_40 = arith.constant 0.000000e+00 : f32
    %broadcast_in_dim3A_41 = vector.broadcast %broadcast_in_dim3A_40 : f32 to vector<16xf32>
    %broadcast_in_dim3A_42 = arith.constant 0.000000e+00 : f32
    %broadcast_in_dim3A_43 = vector.broadcast %broadcast_in_dim3A_42 : f32 to vector<16xf32>
    %broadcast_in_dim3A_44 = arith.constant 0.000000e+00 : f32
    %broadcast_in_dim3A_45 = vector.broadcast %broadcast_in_dim3A_44 : f32 to vector<16xf32>
    %broadcast_in_dim3A_46 = arith.constant 0.000000e+00 : f32
    %broadcast_in_dim3A_47 = vector.broadcast %broadcast_in_dim3A_46 : f32 to vector<16xf32>
    %broadcast_in_dim3A_48 = arith.constant 0.000000e+00 : f32
    %broadcast_in_dim3A_49 = vector.broadcast %broadcast_in_dim3A_48 : f32 to vector<16xf32>
    %scan3A = arith.constant 0 : i32
    %scan3A_50 = arith.constant 200 : i32
    %scan3A_51 = arith.addi %scan3A, %scan3A_50 : i32
    %scan3A_52 = arith.constant 1 : i32
    %scan3A_53:8 = scf.for %scan3A_707 = %scan3A to %scan3A_51 step %scan3A_52 iter_args(%scan3A_708 = %broadcast_in_dim3A_35, %scan3A_709 = %broadcast_in_dim3A_37, %scan3A_710 = %broadcast_in_dim3A_39, %scan3A_711 = %broadcast_in_dim3A_41, %scan3A_712 = %broadcast_in_dim3A_43, %scan3A_713 = %broadcast_in_dim3A_45, %scan3A_714 = %broadcast_in_dim3A_47, %scan3A_715 = %broadcast_in_dim3A_49) -> (vector<16xf32>, vector<16xf32>, vector<16xf32>, vector<16xf32>, vector<16xf32>, vector<16xf32>, vector<16xf32>, vector<16xf32>)  : i32 {
      %mul3A_716 = arith.constant 128 : i32
      %mul3A_717 = arith.muli %scan3A_707, %mul3A_716 : i32
      %add3A_718 = arith.constant 0 : i32
      %add3A_719 = arith.addi %mul3A_717, %add3A_718 : i32
      %get3A = arith.index_cast %add3A_719 : i32 to index
      %get3A_720 = tpu.vector_load %arg7[%get3A] {strides = array<i32>} : memref<25600xf32, #tpu.memory_space<vmem>>, vector<16xf32>,
      %get3A_721 = vector.shape_cast %get3A_720 : vector<16xf32> to vector<16xf32>
      %add3A_722 = arith.addf %scan3A_708, %get3A_721 : vector<16xf32>
      %mul3A_723 = arith.constant 128 : i32
      %mul3A_724 = arith.muli %scan3A_707, %mul3A_723 : i32
      %add3A_725 = arith.constant 16 : i32
      %add3A_726 = arith.addi %mul3A_724, %add3A_725 : i32
      %get3A_727 = arith.index_cast %add3A_726 : i32 to index
      %get3A_728 = tpu.vector_load %arg7[%get3A_727] {strides = array<i32>} : memref<25600xf32, #tpu.memory_space<vmem>>, vector<16xf32>,
      %get3A_729 = vector.shape_cast %get3A_728 : vector<16xf32> to vector<16xf32>
      %add3A_730 = arith.addf %scan3A_709, %get3A_729 : vector<16xf32>
      %mul3A_731 = arith.constant 128 : i32
      %mul3A_732 = arith.muli %scan3A_707, %mul3A_731 : i32
      %add3A_733 = arith.constant 32 : i32
      %add3A_734 = arith.addi %mul3A_732, %add3A_733 : i32
      %get3A_735 = arith.index_cast %add3A_734 : i32 to index
      %get3A_736 = tpu.vector_load %arg7[%get3A_735] {strides = array<i32>} : memref<25600xf32, #tpu.memory_space<vmem>>, vector<16xf32>,
      %get3A_737 = vector.shape_cast %get3A_736 : vector<16xf32> to vector<16xf32>
      %add3A_738 = arith.addf %scan3A_710, %get3A_737 : vector<16xf32>
      %mul3A_739 = arith.constant 128 : i32
      %mul3A_740 = arith.muli %scan3A_707, %mul3A_739 : i32
      %add3A_741 = arith.constant 48 : i32
      %add3A_742 = arith.addi %mul3A_740, %add3A_741 : i32
      %get3A_743 = arith.index_cast %add3A_742 : i32 to index
      %get3A_744 = tpu.vector_load %arg7[%get3A_743] {strides = array<i32>} : memref<25600xf32, #tpu.memory_space<vmem>>, vector<16xf32>,
      %get3A_745 = vector.shape_cast %get3A_744 : vector<16xf32> to vector<16xf32>
      %add3A_746 = arith.addf %scan3A_711, %get3A_745 : vector<16xf32>
      %mul3A_747 = arith.constant 128 : i32
      %mul3A_748 = arith.muli %scan3A_707, %mul3A_747 : i32
      %add3A_749 = arith.constant 64 : i32
      %add3A_750 = arith.addi %mul3A_748, %add3A_749 : i32
      %get3A_751 = arith.index_cast %add3A_750 : i32 to index
      %get3A_752 = tpu.vector_load %arg7[%get3A_751] {strides = array<i32>} : memref<25600xf32, #tpu.memory_space<vmem>>, vector<16xf32>,
      %get3A_753 = vector.shape_cast %get3A_752 : vector<16xf32> to vector<16xf32>
      %add3A_754 = arith.addf %scan3A_712, %get3A_753 : vector<16xf32>
      %mul3A_755 = arith.constant 128 : i32
      %mul3A_756 = arith.muli %scan3A_707, %mul3A_755 : i32
      %add3A_757 = arith.constant 80 : i32
      %add3A_758 = arith.addi %mul3A_756, %add3A_757 : i32
      %get3A_759 = arith.index_cast %add3A_758 : i32 to index
      %get3A_760 = tpu.vector_load %arg7[%get3A_759] {strides = array<i32>} : memref<25600xf32, #tpu.memory_space<vmem>>, vector<16xf32>,
      %get3A_761 = vector.shape_cast %get3A_760 : vector<16xf32> to vector<16xf32>
      %add3A_762 = arith.addf %scan3A_713, %get3A_761 : vector<16xf32>
      %mul3A_763 = arith.constant 128 : i32
      %mul3A_764 = arith.muli %scan3A_707, %mul3A_763 : i32
      %add3A_765 = arith.constant 96 : i32
      %add3A_766 = arith.addi %mul3A_764, %add3A_765 : i32
      %get3A_767 = arith.index_cast %add3A_766 : i32 to index
      %get3A_768 = tpu.vector_load %arg7[%get3A_767] {strides = array<i32>} : memref<25600xf32, #tpu.memory_space<vmem>>, vector<16xf32>,
      %get3A_769 = vector.shape_cast %get3A_768 : vector<16xf32> to vector<16xf32>
      %add3A_770 = arith.addf %scan3A_714, %get3A_769 : vector<16xf32>
      %mul3A_771 = arith.constant 128 : i32
      %mul3A_772 = arith.muli %scan3A_707, %mul3A_771 : i32
      %add3A_773 = arith.constant 112 : i32
      %add3A_774 = arith.addi %mul3A_772, %add3A_773 : i32
      %get3A_775 = arith.index_cast %add3A_774 : i32 to index
      %get3A_776 = tpu.vector_load %arg7[%get3A_775] {strides = array<i32>} : memref<25600xf32, #tpu.memory_space<vmem>>, vector<16xf32>,
      %get3A_777 = vector.shape_cast %get3A_776 : vector<16xf32> to vector<16xf32>
      %add3A_778 = arith.addf %scan3A_715, %get3A_777 : vector<16xf32>
      scf.yield %add3A_722, %add3A_730, %add3A_738, %add3A_746, %add3A_754, %add3A_762, %add3A_770, %add3A_778 : vector<16xf32>, vector<16xf32>, vector<16xf32>, vector<16xf32>, vector<16xf32>, vector<16xf32>, vector<16xf32>, vector<16xf32>
    }
    %scan3A_54 = arith.constant 200 : i32
    %mul3A_55 = arith.constant 5.000000e-03 : f32
    %mul3A_56 = vector.broadcast %mul3A_55 : f32 to vector<16xf32>
    %mul3A_57 = arith.mulf %scan3A_53#0, %mul3A_56 : vector<16xf32>
    %neg3A = arith.constant 0.000000e+00 : f32
    %neg3A_58 = vector.broadcast %neg3A : f32 to vector<16xf32>
    %neg3A_59 = arith.subf %neg3A_58, %mul3A_57 : vector<16xf32>
    %exp3A = math.exp %neg3A_59 : vector<16xf32>
    %add3A_60 = arith.constant 1.000000e+00 : f32
    %add3A_61 = vector.broadcast %add3A_60 : f32 to vector<16xf32>
    %add3A_62 = arith.addf %add3A_61, %exp3A : vector<16xf32>
    %div3A = arith.constant 1.000000e+00 : f32
    %div3A_63 = vector.broadcast %div3A : f32 to vector<16xf32>
    %div3A_64 = arith.divf %div3A_63, %add3A_62 : vector<16xf32>
    %swap3A = arith.constant 0 : index
    %swap3A_65 = tpu.vector_load %arg8[%swap3A] {strides = array<i32>} : memref<128xf32, #tpu.memory_space<vmem>>, vector<16xf32>,
    %swap3A_66 = vector.shape_cast %swap3A_65 : vector<16xf32> to vector<16xf32>
    %swap3A_67 = vector.shape_cast %div3A_64 : vector<16xf32> to vector<16xf32>
    tpu.vector_store %arg8[%swap3A], %swap3A_67 {strides = array<i32>} : memref<128xf32, #tpu.memory_space<vmem>>, vector<16xf32>,
    %mul3A_68 = arith.constant 5.000000e-03 : f32
    %mul3A_69 = vector.broadcast %mul3A_68 : f32 to vector<16xf32>
    %mul3A_70 = arith.mulf %scan3A_53#1, %mul3A_69 : vector<16xf32>
    %neg3A_71 = arith.constant 0.000000e+00 : f32
    %neg3A_72 = vector.broadcast %neg3A_71 : f32 to vector<16xf32>
    %neg3A_73 = arith.subf %neg3A_72, %mul3A_70 : vector<16xf32>
    %exp3A_74 = math.exp %neg3A_73 : vector<16xf32>
    %add3A_75 = arith.constant 1.000000e+00 : f32
    %add3A_76 = vector.broadcast %add3A_75 : f32 to vector<16xf32>
    %add3A_77 = arith.addf %add3A_76, %exp3A_74 : vector<16xf32>
    %div3A_78 = arith.constant 1.000000e+00 : f32
    %div3A_79 = vector.broadcast %div3A_78 : f32 to vector<16xf32>
    %div3A_80 = arith.divf %div3A_79, %add3A_77 : vector<16xf32>
    %swap3A_81 = arith.constant 16 : index
    %swap3A_82 = tpu.vector_load %arg8[%swap3A_81] {strides = array<i32>} : memref<128xf32, #tpu.memory_space<vmem>>, vector<16xf32>,
    %swap3A_83 = vector.shape_cast %swap3A_82 : vector<16xf32> to vector<16xf32>
    %swap3A_84 = vector.shape_cast %div3A_80 : vector<16xf32> to vector<16xf32>
    tpu.vector_store %arg8[%swap3A_81], %swap3A_84 {strides = array<i32>} : memref<128xf32, #tpu.memory_space<vmem>>, vector<16xf32>,
    %mul3A_85 = arith.constant 5.000000e-03 : f32
    %mul3A_86 = vector.broadcast %mul3A_85 : f32 to vector<16xf32>
    %mul3A_87 = arith.mulf %scan3A_53#2, %mul3A_86 : vector<16xf32>
    %neg3A_88 = arith.constant 0.000000e+00 : f32
    %neg3A_89 = vector.broadcast %neg3A_88 : f32 to vector<16xf32>
    %neg3A_90 = arith.subf %neg3A_89, %mul3A_87 : vector<16xf32>
    %exp3A_91 = math.exp %neg3A_90 : vector<16xf32>
    %add3A_92 = arith.constant 1.000000e+00 : f32
    %add3A_93 = vector.broadcast %add3A_92 : f32 to vector<16xf32>
    %add3A_94 = arith.addf %add3A_93, %exp3A_91 : vector<16xf32>
    %div3A_95 = arith.constant 1.000000e+00 : f32
    %div3A_96 = vector.broadcast %div3A_95 : f32 to vector<16xf32>
    %div3A_97 = arith.divf %div3A_96, %add3A_94 : vector<16xf32>
    %swap3A_98 = arith.constant 32 : index
    %swap3A_99 = tpu.vector_load %arg8[%swap3A_98] {strides = array<i32>} : memref<128xf32, #tpu.memory_space<vmem>>, vector<16xf32>,
    %swap3A_100 = vector.shape_cast %swap3A_99 : vector<16xf32> to vector<16xf32>
    %swap3A_101 = vector.shape_cast %div3A_97 : vector<16xf32> to vector<16xf32>
    tpu.vector_store %arg8[%swap3A_98], %swap3A_101 {strides = array<i32>} : memref<128xf32, #tpu.memory_space<vmem>>, vector<16xf32>,
    %mul3A_102 = arith.constant 5.000000e-03 : f32
    %mul3A_103 = vector.broadcast %mul3A_102 : f32 to vector<16xf32>
    %mul3A_104 = arith.mulf %scan3A_53#3, %mul3A_103 : vector<16xf32>
    %neg3A_105 = arith.constant 0.000000e+00 : f32
    %neg3A_106 = vector.broadcast %neg3A_105 : f32 to vector<16xf32>
    %neg3A_107 = arith.subf %neg3A_106, %mul3A_104 : vector<16xf32>
    %exp3A_108 = math.exp %neg3A_107 : vector<16xf32>
    %add3A_109 = arith.constant 1.000000e+00 : f32
    %add3A_110 = vector.broadcast %add3A_109 : f32 to vector<16xf32>
    %add3A_111 = arith.addf %add3A_110, %exp3A_108 : vector<16xf32>
    %div3A_112 = arith.constant 1.000000e+00 : f32
    %div3A_113 = vector.broadcast %div3A_112 : f32 to vector<16xf32>
    %div3A_114 = arith.divf %div3A_113, %add3A_111 : vector<16xf32>
    %swap3A_115 = arith.constant 48 : index
    %swap3A_116 = tpu.vector_load %arg8[%swap3A_115] {strides = array<i32>} : memref<128xf32, #tpu.memory_space<vmem>>, vector<16xf32>,
    %swap3A_117 = vector.shape_cast %swap3A_116 : vector<16xf32> to vector<16xf32>
    %swap3A_118 = vector.shape_cast %div3A_114 : vector<16xf32> to vector<16xf32>
    tpu.vector_store %arg8[%swap3A_115], %swap3A_118 {strides = array<i32>} : memref<128xf32, #tpu.memory_space<vmem>>, vector<16xf32>,
    %mul3A_119 = arith.constant 5.000000e-03 : f32
    %mul3A_120 = vector.broadcast %mul3A_119 : f32 to vector<16xf32>
    %mul3A_121 = arith.mulf %scan3A_53#4, %mul3A_120 : vector<16xf32>
    %neg3A_122 = arith.constant 0.000000e+00 : f32
    %neg3A_123 = vector.broadcast %neg3A_122 : f32 to vector<16xf32>
    %neg3A_124 = arith.subf %neg3A_123, %mul3A_121 : vector<16xf32>
    %exp3A_125 = math.exp %neg3A_124 : vector<16xf32>
    %add3A_126 = arith.constant 1.000000e+00 : f32
    %add3A_127 = vector.broadcast %add3A_126 : f32 to vector<16xf32>
    %add3A_128 = arith.addf %add3A_127, %exp3A_125 : vector<16xf32>
    %div3A_129 = arith.constant 1.000000e+00 : f32
    %div3A_130 = vector.broadcast %div3A_129 : f32 to vector<16xf32>
    %div3A_131 = arith.divf %div3A_130, %add3A_128 : vector<16xf32>
    %swap3A_132 = arith.constant 64 : index
    %swap3A_133 = tpu.vector_load %arg8[%swap3A_132] {strides = array<i32>} : memref<128xf32, #tpu.memory_space<vmem>>, vector<16xf32>,
    %swap3A_134 = vector.shape_cast %swap3A_133 : vector<16xf32> to vector<16xf32>
    %swap3A_135 = vector.shape_cast %div3A_131 : vector<16xf32> to vector<16xf32>
    tpu.vector_store %arg8[%swap3A_132], %swap3A_135 {strides = array<i32>} : memref<128xf32, #tpu.memory_space<vmem>>, vector<16xf32>,
    %mul3A_136 = arith.constant 5.000000e-03 : f32
    %mul3A_137 = vector.broadcast %mul3A_136 : f32 to vector<16xf32>
    %mul3A_138 = arith.mulf %scan3A_53#5, %mul3A_137 : vector<16xf32>
    %neg3A_139 = arith.constant 0.000000e+00 : f32
    %neg3A_140 = vector.broadcast %neg3A_139 : f32 to vector<16xf32>
    %neg3A_141 = arith.subf %neg3A_140, %mul3A_138 : vector<16xf32>
    %exp3A_142 = math.exp %neg3A_141 : vector<16xf32>
    %add3A_143 = arith.constant 1.000000e+00 : f32
    %add3A_144 = vector.broadcast %add3A_143 : f32 to vector<16xf32>
    %add3A_145 = arith.addf %add3A_144, %exp3A_142 : vector<16xf32>
    %div3A_146 = arith.constant 1.000000e+00 : f32
    %div3A_147 = vector.broadcast %div3A_146 : f32 to vector<16xf32>
    %div3A_148 = arith.divf %div3A_147, %add3A_145 : vector<16xf32>
    %swap3A_149 = arith.constant 80 : index
    %swap3A_150 = tpu.vector_load %arg8[%swap3A_149] {strides = array<i32>} : memref<128xf32, #tpu.memory_space<vmem>>, vector<16xf32>,
    %swap3A_151 = vector.shape_cast %swap3A_150 : vector<16xf32> to vector<16xf32>
    %swap3A_152 = vector.shape_cast %div3A_148 : vector<16xf32> to vector<16xf32>
    tpu.vector_store %arg8[%swap3A_149], %swap3A_152 {strides = array<i32>} : memref<128xf32, #tpu.memory_space<vmem>>, vector<16xf32>,
    %mul3A_153 = arith.constant 5.000000e-03 : f32
    %mul3A_154 = vector.broadcast %mul3A_153 : f32 to vector<16xf32>
    %mul3A_155 = arith.mulf %scan3A_53#6, %mul3A_154 : vector<16xf32>
    %neg3A_156 = arith.constant 0.000000e+00 : f32
    %neg3A_157 = vector.broadcast %neg3A_156 : f32 to vector<16xf32>
    %neg3A_158 = arith.subf %neg3A_157, %mul3A_155 : vector<16xf32>
    %exp3A_159 = math.exp %neg3A_158 : vector<16xf32>
    %add3A_160 = arith.constant 1.000000e+00 : f32
    %add3A_161 = vector.broadcast %add3A_160 : f32 to vector<16xf32>
    %add3A_162 = arith.addf %add3A_161, %exp3A_159 : vector<16xf32>
    %div3A_163 = arith.constant 1.000000e+00 : f32
    %div3A_164 = vector.broadcast %div3A_163 : f32 to vector<16xf32>
    %div3A_165 = arith.divf %div3A_164, %add3A_162 : vector<16xf32>
    %swap3A_166 = arith.constant 96 : index
    %swap3A_167 = tpu.vector_load %arg8[%swap3A_166] {strides = array<i32>} : memref<128xf32, #tpu.memory_space<vmem>>, vector<16xf32>,
    %swap3A_168 = vector.shape_cast %swap3A_167 : vector<16xf32> to vector<16xf32>
    %swap3A_169 = vector.shape_cast %div3A_165 : vector<16xf32> to vector<16xf32>
    tpu.vector_store %arg8[%swap3A_166], %swap3A_169 {strides = array<i32>} : memref<128xf32, #tpu.memory_space<vmem>>, vector<16xf32>,
    %mul3A_170 = arith.constant 5.000000e-03 : f32
    %mul3A_171 = vector.broadcast %mul3A_170 : f32 to vector<16xf32>
    %mul3A_172 = arith.mulf %scan3A_53#7, %mul3A_171 : vector<16xf32>
    %neg3A_173 = arith.constant 0.000000e+00 : f32
    %neg3A_174 = vector.broadcast %neg3A_173 : f32 to vector<16xf32>
    %neg3A_175 = arith.subf %neg3A_174, %mul3A_172 : vector<16xf32>
    %exp3A_176 = math.exp %neg3A_175 : vector<16xf32>
    %add3A_177 = arith.constant 1.000000e+00 : f32
    %add3A_178 = vector.broadcast %add3A_177 : f32 to vector<16xf32>
    %add3A_179 = arith.addf %add3A_178, %exp3A_176 : vector<16xf32>
    %div3A_180 = arith.constant 1.000000e+00 : f32
    %div3A_181 = vector.broadcast %div3A_180 : f32 to vector<16xf32>
    %div3A_182 = arith.divf %div3A_181, %add3A_179 : vector<16xf32>
    %swap3A_183 = arith.constant 112 : index
    %swap3A_184 = tpu.vector_load %arg8[%swap3A_183] {strides = array<i32>} : memref<128xf32, #tpu.memory_space<vmem>>, vector<16xf32>,
    %swap3A_185 = vector.shape_cast %swap3A_184 : vector<16xf32> to vector<16xf32>
    %swap3A_186 = vector.shape_cast %div3A_182 : vector<16xf32> to vector<16xf32>
    tpu.vector_store %arg8[%swap3A_183], %swap3A_186 {strides = array<i32>} : memref<128xf32, #tpu.memory_space<vmem>>, vector<16xf32>,
    %add3A_187 = arith.constant 0 : i32
    %add3A_188 = arith.addi %mul3A_2, %add3A_187 : i32
    "tpu.region"() ({
      %run_scoped3A = tpu.sem_alloc : memref<!tpu.dma_semaphore, #tpu.memory_space<semaphore_mem>>
      %dma_start3A_707 = tpu.memref_slice %arg4[%add3A_188] : memref<16384xf32, #tpu.memory_space<hbm>> -> memref<128xf32, #tpu.memory_space<hbm>>
      %dma_start3A_708 = tpu.memref_slice %arg4[%add3A_188] : memref<16384xf32, #tpu.memory_space<hbm>> -> memref<128xf32, #tpu.memory_space<hbm>>
      tpu.enqueue_dma source(%arg8 : memref<128xf32, #tpu.memory_space<vmem>>) target(%dma_start3A_708 : memref<128xf32, #tpu.memory_space<hbm>>) target_semaphore(%run_scoped3A : memref<!tpu.dma_semaphore, #tpu.memory_space<semaphore_mem>>)
      %dma_wait3A_709 = tpu.memref_slice %arg4[%add3A_188] : memref<16384xf32, #tpu.memory_space<hbm>> -> memref<128xf32, #tpu.memory_space<hbm>>
      %dma_wait3A_710 = tpu.memref_slice %arg4[%add3A_188] : memref<16384xf32, #tpu.memory_space<hbm>> -> memref<128xf32, #tpu.memory_space<hbm>>
      tpu.wait_dma2 semaphore(%run_scoped3A : memref<!tpu.dma_semaphore, #tpu.memory_space<semaphore_mem>>) src(%arg8 : memref<128xf32, #tpu.memory_space<vmem>>) dst(%dma_wait3A_710 : memref<128xf32, #tpu.memory_space<hbm>>)
      tpu.yield
    }) : () -> ()
    %dma_wait3A_189 = tpu.memref_slice %arg3[%mul3A_32] : memref<3276800xi32, #tpu.memory_space<hbm>> -> memref<25600xi32, #tpu.memory_space<hbm>>
    %dma_wait3A_190 = tpu.memref_slice %arg3[%mul3A_32] : memref<3276800xi32, #tpu.memory_space<hbm>> -> memref<25600xi32, #tpu.memory_space<hbm>>
    tpu.wait_dma2 semaphore(%arg10 : memref<!tpu.dma_semaphore, #tpu.memory_space<semaphore_mem>>) src(%dma_wait3A_190 : memref<25600xi32, #tpu.memory_space<hbm>>) dst(%arg6 : memref<25600xi32, #tpu.memory_space<vmem>>)
    %dma_start3A_191 = arith.constant 0 : i32
    %dma_start3A_192 = tpu.memref_slice %arg5[%dma_start3A_191] : memref<1007616xf32, #tpu.memory_space<vmem_shared>> -> memref<1007616xf32, #tpu.memory_space<vmem_shared>>
    tpu.enqueue_indirect_dma source(%dma_start3A_192 : memref<1007616xf32, #tpu.memory_space<vmem_shared>>) target(%arg7 : memref<25600xf32, #tpu.memory_space<vmem>>) offsets(%arg6 : memref<25600xi32, #tpu.memory_space<vmem>>) semaphore(%arg11 : memref<!tpu.dma_semaphore, #tpu.memory_space<semaphore_mem>>)
    %dma_wait3A_193 = arith.constant 0 : i32
    %dma_wait3A_194 = tpu.memref_slice %arg5[%dma_wait3A_193] : memref<1007616xf32, #tpu.memory_space<vmem_shared>> -> memref<1007616xf32, #tpu.memory_space<vmem_shared>>
    tpu.wait_indirect_dma semaphore(%arg11 : memref<!tpu.dma_semaphore, #tpu.memory_space<semaphore_mem>>) src(%dma_wait3A_194 : memref<1007616xf32, #tpu.memory_space<vmem_shared>>) dst(%arg7 : memref<25600xf32, #tpu.memory_space<vmem>>)
    %mul3A_195 = arith.constant 4 : i32
    %mul3A_196 = arith.muli %add3A, %mul3A_195 : i32
    %add3A_197 = arith.constant 2 : i32
    %add3A_198 = arith.addi %mul3A_196, %add3A_197 : i32
    %mul3A_199 = arith.constant 200 : i32
    %mul3A_200 = arith.muli %add3A_198, %mul3A_199 : i32
    %mul3A_201 = arith.constant 128 : i32
    %mul3A_202 = arith.muli %mul3A_200, %mul3A_201 : i32
    %dma_start3A_203 = tpu.memref_slice %arg3[%mul3A_202] : memref<3276800xi32, #tpu.memory_space<hbm>> -> memref<25600xi32, #tpu.memory_space<hbm>>
    %dma_start3A_204 = tpu.memref_slice %arg3[%mul3A_202] : memref<3276800xi32, #tpu.memory_space<hbm>> -> memref<25600xi32, #tpu.memory_space<hbm>>
    tpu.enqueue_dma source(%dma_start3A_204 : memref<25600xi32, #tpu.memory_space<hbm>>) target(%arg6 : memref<25600xi32, #tpu.memory_space<vmem>>) target_semaphore(%arg10 : memref<!tpu.dma_semaphore, #tpu.memory_space<semaphore_mem>>)
    %broadcast_in_dim3A_205 = arith.constant 0.000000e+00 : f32
    %broadcast_in_dim3A_206 = vector.broadcast %broadcast_in_dim3A_205 : f32 to vector<16xf32>
    %broadcast_in_dim3A_207 = arith.constant 0.000000e+00 : f32
    %broadcast_in_dim3A_208 = vector.broadcast %broadcast_in_dim3A_207 : f32 to vector<16xf32>
    %broadcast_in_dim3A_209 = arith.constant 0.000000e+00 : f32
    %broadcast_in_dim3A_210 = vector.broadcast %broadcast_in_dim3A_209 : f32 to vector<16xf32>
    %broadcast_in_dim3A_211 = arith.constant 0.000000e+00 : f32
    %broadcast_in_dim3A_212 = vector.broadcast %broadcast_in_dim3A_211 : f32 to vector<16xf32>
    %broadcast_in_dim3A_213 = arith.constant 0.000000e+00 : f32
    %broadcast_in_dim3A_214 = vector.broadcast %broadcast_in_dim3A_213 : f32 to vector<16xf32>
    %broadcast_in_dim3A_215 = arith.constant 0.000000e+00 : f32
    %broadcast_in_dim3A_216 = vector.broadcast %broadcast_in_dim3A_215 : f32 to vector<16xf32>
    %broadcast_in_dim3A_217 = arith.constant 0.000000e+00 : f32
    %broadcast_in_dim3A_218 = vector.broadcast %broadcast_in_dim3A_217 : f32 to vector<16xf32>
    %broadcast_in_dim3A_219 = arith.constant 0.000000e+00 : f32
    %broadcast_in_dim3A_220 = vector.broadcast %broadcast_in_dim3A_219 : f32 to vector<16xf32>
    %scan3A_221 = arith.constant 0 : i32
    %scan3A_222 = arith.constant 200 : i32
    %scan3A_223 = arith.addi %scan3A_221, %scan3A_222 : i32
    %scan3A_224 = arith.constant 1 : i32
    %scan3A_225:8 = scf.for %scan3A_707 = %scan3A_221 to %scan3A_223 step %scan3A_224 iter_args(%scan3A_708 = %broadcast_in_dim3A_206, %scan3A_709 = %broadcast_in_dim3A_208, %scan3A_710 = %broadcast_in_dim3A_210, %scan3A_711 = %broadcast_in_dim3A_212, %scan3A_712 = %broadcast_in_dim3A_214, %scan3A_713 = %broadcast_in_dim3A_216, %scan3A_714 = %broadcast_in_dim3A_218, %scan3A_715 = %broadcast_in_dim3A_220) -> (vector<16xf32>, vector<16xf32>, vector<16xf32>, vector<16xf32>, vector<16xf32>, vector<16xf32>, vector<16xf32>, vector<16xf32>)  : i32 {
      %mul3A_716 = arith.constant 128 : i32
      %mul3A_717 = arith.muli %scan3A_707, %mul3A_716 : i32
      %add3A_718 = arith.constant 0 : i32
      %add3A_719 = arith.addi %mul3A_717, %add3A_718 : i32
      %get3A = arith.index_cast %add3A_719 : i32 to index
      %get3A_720 = tpu.vector_load %arg7[%get3A] {strides = array<i32>} : memref<25600xf32, #tpu.memory_space<vmem>>, vector<16xf32>,
      %get3A_721 = vector.shape_cast %get3A_720 : vector<16xf32> to vector<16xf32>
      %add3A_722 = arith.addf %scan3A_708, %get3A_721 : vector<16xf32>
      %mul3A_723 = arith.constant 128 : i32
      %mul3A_724 = arith.muli %scan3A_707, %mul3A_723 : i32
      %add3A_725 = arith.constant 16 : i32
      %add3A_726 = arith.addi %mul3A_724, %add3A_725 : i32
      %get3A_727 = arith.index_cast %add3A_726 : i32 to index
      %get3A_728 = tpu.vector_load %arg7[%get3A_727] {strides = array<i32>} : memref<25600xf32, #tpu.memory_space<vmem>>, vector<16xf32>,
      %get3A_729 = vector.shape_cast %get3A_728 : vector<16xf32> to vector<16xf32>
      %add3A_730 = arith.addf %scan3A_709, %get3A_729 : vector<16xf32>
      %mul3A_731 = arith.constant 128 : i32
      %mul3A_732 = arith.muli %scan3A_707, %mul3A_731 : i32
      %add3A_733 = arith.constant 32 : i32
      %add3A_734 = arith.addi %mul3A_732, %add3A_733 : i32
      %get3A_735 = arith.index_cast %add3A_734 : i32 to index
      %get3A_736 = tpu.vector_load %arg7[%get3A_735] {strides = array<i32>} : memref<25600xf32, #tpu.memory_space<vmem>>, vector<16xf32>,
      %get3A_737 = vector.shape_cast %get3A_736 : vector<16xf32> to vector<16xf32>
      %add3A_738 = arith.addf %scan3A_710, %get3A_737 : vector<16xf32>
      %mul3A_739 = arith.constant 128 : i32
      %mul3A_740 = arith.muli %scan3A_707, %mul3A_739 : i32
      %add3A_741 = arith.constant 48 : i32
      %add3A_742 = arith.addi %mul3A_740, %add3A_741 : i32
      %get3A_743 = arith.index_cast %add3A_742 : i32 to index
      %get3A_744 = tpu.vector_load %arg7[%get3A_743] {strides = array<i32>} : memref<25600xf32, #tpu.memory_space<vmem>>, vector<16xf32>,
      %get3A_745 = vector.shape_cast %get3A_744 : vector<16xf32> to vector<16xf32>
      %add3A_746 = arith.addf %scan3A_711, %get3A_745 : vector<16xf32>
      %mul3A_747 = arith.constant 128 : i32
      %mul3A_748 = arith.muli %scan3A_707, %mul3A_747 : i32
      %add3A_749 = arith.constant 64 : i32
      %add3A_750 = arith.addi %mul3A_748, %add3A_749 : i32
      %get3A_751 = arith.index_cast %add3A_750 : i32 to index
      %get3A_752 = tpu.vector_load %arg7[%get3A_751] {strides = array<i32>} : memref<25600xf32, #tpu.memory_space<vmem>>, vector<16xf32>,
      %get3A_753 = vector.shape_cast %get3A_752 : vector<16xf32> to vector<16xf32>
      %add3A_754 = arith.addf %scan3A_712, %get3A_753 : vector<16xf32>
      %mul3A_755 = arith.constant 128 : i32
      %mul3A_756 = arith.muli %scan3A_707, %mul3A_755 : i32
      %add3A_757 = arith.constant 80 : i32
      %add3A_758 = arith.addi %mul3A_756, %add3A_757 : i32
      %get3A_759 = arith.index_cast %add3A_758 : i32 to index
      %get3A_760 = tpu.vector_load %arg7[%get3A_759] {strides = array<i32>} : memref<25600xf32, #tpu.memory_space<vmem>>, vector<16xf32>,
      %get3A_761 = vector.shape_cast %get3A_760 : vector<16xf32> to vector<16xf32>
      %add3A_762 = arith.addf %scan3A_713, %get3A_761 : vector<16xf32>
      %mul3A_763 = arith.constant 128 : i32
      %mul3A_764 = arith.muli %scan3A_707, %mul3A_763 : i32
      %add3A_765 = arith.constant 96 : i32
      %add3A_766 = arith.addi %mul3A_764, %add3A_765 : i32
      %get3A_767 = arith.index_cast %add3A_766 : i32 to index
      %get3A_768 = tpu.vector_load %arg7[%get3A_767] {strides = array<i32>} : memref<25600xf32, #tpu.memory_space<vmem>>, vector<16xf32>,
      %get3A_769 = vector.shape_cast %get3A_768 : vector<16xf32> to vector<16xf32>
      %add3A_770 = arith.addf %scan3A_714, %get3A_769 : vector<16xf32>
      %mul3A_771 = arith.constant 128 : i32
      %mul3A_772 = arith.muli %scan3A_707, %mul3A_771 : i32
      %add3A_773 = arith.constant 112 : i32
      %add3A_774 = arith.addi %mul3A_772, %add3A_773 : i32
      %get3A_775 = arith.index_cast %add3A_774 : i32 to index
      %get3A_776 = tpu.vector_load %arg7[%get3A_775] {strides = array<i32>} : memref<25600xf32, #tpu.memory_space<vmem>>, vector<16xf32>,
      %get3A_777 = vector.shape_cast %get3A_776 : vector<16xf32> to vector<16xf32>
      %add3A_778 = arith.addf %scan3A_715, %get3A_777 : vector<16xf32>
      scf.yield %add3A_722, %add3A_730, %add3A_738, %add3A_746, %add3A_754, %add3A_762, %add3A_770, %add3A_778 : vector<16xf32>, vector<16xf32>, vector<16xf32>, vector<16xf32>, vector<16xf32>, vector<16xf32>, vector<16xf32>, vector<16xf32>
    }
    %scan3A_226 = arith.constant 200 : i32
    %mul3A_227 = arith.constant 5.000000e-03 : f32
    %mul3A_228 = vector.broadcast %mul3A_227 : f32 to vector<16xf32>
    %mul3A_229 = arith.mulf %scan3A_225#0, %mul3A_228 : vector<16xf32>
    %neg3A_230 = arith.constant 0.000000e+00 : f32
    %neg3A_231 = vector.broadcast %neg3A_230 : f32 to vector<16xf32>
    %neg3A_232 = arith.subf %neg3A_231, %mul3A_229 : vector<16xf32>
    %exp3A_233 = math.exp %neg3A_232 : vector<16xf32>
    %add3A_234 = arith.constant 1.000000e+00 : f32
    %add3A_235 = vector.broadcast %add3A_234 : f32 to vector<16xf32>
    %add3A_236 = arith.addf %add3A_235, %exp3A_233 : vector<16xf32>
    %div3A_237 = arith.constant 1.000000e+00 : f32
    %div3A_238 = vector.broadcast %div3A_237 : f32 to vector<16xf32>
    %div3A_239 = arith.divf %div3A_238, %add3A_236 : vector<16xf32>
    %swap3A_240 = arith.constant 0 : index
    %swap3A_241 = tpu.vector_load %arg8[%swap3A_240] {strides = array<i32>} : memref<128xf32, #tpu.memory_space<vmem>>, vector<16xf32>,
    %swap3A_242 = vector.shape_cast %swap3A_241 : vector<16xf32> to vector<16xf32>
    %swap3A_243 = vector.shape_cast %div3A_239 : vector<16xf32> to vector<16xf32>
    tpu.vector_store %arg8[%swap3A_240], %swap3A_243 {strides = array<i32>} : memref<128xf32, #tpu.memory_space<vmem>>, vector<16xf32>,
    %mul3A_244 = arith.constant 5.000000e-03 : f32
    %mul3A_245 = vector.broadcast %mul3A_244 : f32 to vector<16xf32>
    %mul3A_246 = arith.mulf %scan3A_225#1, %mul3A_245 : vector<16xf32>
    %neg3A_247 = arith.constant 0.000000e+00 : f32
    %neg3A_248 = vector.broadcast %neg3A_247 : f32 to vector<16xf32>
    %neg3A_249 = arith.subf %neg3A_248, %mul3A_246 : vector<16xf32>
    %exp3A_250 = math.exp %neg3A_249 : vector<16xf32>
    %add3A_251 = arith.constant 1.000000e+00 : f32
    %add3A_252 = vector.broadcast %add3A_251 : f32 to vector<16xf32>
    %add3A_253 = arith.addf %add3A_252, %exp3A_250 : vector<16xf32>
    %div3A_254 = arith.constant 1.000000e+00 : f32
    %div3A_255 = vector.broadcast %div3A_254 : f32 to vector<16xf32>
    %div3A_256 = arith.divf %div3A_255, %add3A_253 : vector<16xf32>
    %swap3A_257 = arith.constant 16 : index
    %swap3A_258 = tpu.vector_load %arg8[%swap3A_257] {strides = array<i32>} : memref<128xf32, #tpu.memory_space<vmem>>, vector<16xf32>,
    %swap3A_259 = vector.shape_cast %swap3A_258 : vector<16xf32> to vector<16xf32>
    %swap3A_260 = vector.shape_cast %div3A_256 : vector<16xf32> to vector<16xf32>
    tpu.vector_store %arg8[%swap3A_257], %swap3A_260 {strides = array<i32>} : memref<128xf32, #tpu.memory_space<vmem>>, vector<16xf32>,
    %mul3A_261 = arith.constant 5.000000e-03 : f32
    %mul3A_262 = vector.broadcast %mul3A_261 : f32 to vector<16xf32>
    %mul3A_263 = arith.mulf %scan3A_225#2, %mul3A_262 : vector<16xf32>
    %neg3A_264 = arith.constant 0.000000e+00 : f32
    %neg3A_265 = vector.broadcast %neg3A_264 : f32 to vector<16xf32>
    %neg3A_266 = arith.subf %neg3A_265, %mul3A_263 : vector<16xf32>
    %exp3A_267 = math.exp %neg3A_266 : vector<16xf32>
    %add3A_268 = arith.constant 1.000000e+00 : f32
    %add3A_269 = vector.broadcast %add3A_268 : f32 to vector<16xf32>
    %add3A_270 = arith.addf %add3A_269, %exp3A_267 : vector<16xf32>
    %div3A_271 = arith.constant 1.000000e+00 : f32
    %div3A_272 = vector.broadcast %div3A_271 : f32 to vector<16xf32>
    %div3A_273 = arith.divf %div3A_272, %add3A_270 : vector<16xf32>
    %swap3A_274 = arith.constant 32 : index
    %swap3A_275 = tpu.vector_load %arg8[%swap3A_274] {strides = array<i32>} : memref<128xf32, #tpu.memory_space<vmem>>, vector<16xf32>,
    %swap3A_276 = vector.shape_cast %swap3A_275 : vector<16xf32> to vector<16xf32>
    %swap3A_277 = vector.shape_cast %div3A_273 : vector<16xf32> to vector<16xf32>
    tpu.vector_store %arg8[%swap3A_274], %swap3A_277 {strides = array<i32>} : memref<128xf32, #tpu.memory_space<vmem>>, vector<16xf32>,
    %mul3A_278 = arith.constant 5.000000e-03 : f32
    %mul3A_279 = vector.broadcast %mul3A_278 : f32 to vector<16xf32>
    %mul3A_280 = arith.mulf %scan3A_225#3, %mul3A_279 : vector<16xf32>
    %neg3A_281 = arith.constant 0.000000e+00 : f32
    %neg3A_282 = vector.broadcast %neg3A_281 : f32 to vector<16xf32>
    %neg3A_283 = arith.subf %neg3A_282, %mul3A_280 : vector<16xf32>
    %exp3A_284 = math.exp %neg3A_283 : vector<16xf32>
    %add3A_285 = arith.constant 1.000000e+00 : f32
    %add3A_286 = vector.broadcast %add3A_285 : f32 to vector<16xf32>
    %add3A_287 = arith.addf %add3A_286, %exp3A_284 : vector<16xf32>
    %div3A_288 = arith.constant 1.000000e+00 : f32
    %div3A_289 = vector.broadcast %div3A_288 : f32 to vector<16xf32>
    %div3A_290 = arith.divf %div3A_289, %add3A_287 : vector<16xf32>
    %swap3A_291 = arith.constant 48 : index
    %swap3A_292 = tpu.vector_load %arg8[%swap3A_291] {strides = array<i32>} : memref<128xf32, #tpu.memory_space<vmem>>, vector<16xf32>,
    %swap3A_293 = vector.shape_cast %swap3A_292 : vector<16xf32> to vector<16xf32>
    %swap3A_294 = vector.shape_cast %div3A_290 : vector<16xf32> to vector<16xf32>
    tpu.vector_store %arg8[%swap3A_291], %swap3A_294 {strides = array<i32>} : memref<128xf32, #tpu.memory_space<vmem>>, vector<16xf32>,
    %mul3A_295 = arith.constant 5.000000e-03 : f32
    %mul3A_296 = vector.broadcast %mul3A_295 : f32 to vector<16xf32>
    %mul3A_297 = arith.mulf %scan3A_225#4, %mul3A_296 : vector<16xf32>
    %neg3A_298 = arith.constant 0.000000e+00 : f32
    %neg3A_299 = vector.broadcast %neg3A_298 : f32 to vector<16xf32>
    %neg3A_300 = arith.subf %neg3A_299, %mul3A_297 : vector<16xf32>
    %exp3A_301 = math.exp %neg3A_300 : vector<16xf32>
    %add3A_302 = arith.constant 1.000000e+00 : f32
    %add3A_303 = vector.broadcast %add3A_302 : f32 to vector<16xf32>
    %add3A_304 = arith.addf %add3A_303, %exp3A_301 : vector<16xf32>
    %div3A_305 = arith.constant 1.000000e+00 : f32
    %div3A_306 = vector.broadcast %div3A_305 : f32 to vector<16xf32>
    %div3A_307 = arith.divf %div3A_306, %add3A_304 : vector<16xf32>
    %swap3A_308 = arith.constant 64 : index
    %swap3A_309 = tpu.vector_load %arg8[%swap3A_308] {strides = array<i32>} : memref<128xf32, #tpu.memory_space<vmem>>, vector<16xf32>,
    %swap3A_310 = vector.shape_cast %swap3A_309 : vector<16xf32> to vector<16xf32>
    %swap3A_311 = vector.shape_cast %div3A_307 : vector<16xf32> to vector<16xf32>
    tpu.vector_store %arg8[%swap3A_308], %swap3A_311 {strides = array<i32>} : memref<128xf32, #tpu.memory_space<vmem>>, vector<16xf32>,
    %mul3A_312 = arith.constant 5.000000e-03 : f32
    %mul3A_313 = vector.broadcast %mul3A_312 : f32 to vector<16xf32>
    %mul3A_314 = arith.mulf %scan3A_225#5, %mul3A_313 : vector<16xf32>
    %neg3A_315 = arith.constant 0.000000e+00 : f32
    %neg3A_316 = vector.broadcast %neg3A_315 : f32 to vector<16xf32>
    %neg3A_317 = arith.subf %neg3A_316, %mul3A_314 : vector<16xf32>
    %exp3A_318 = math.exp %neg3A_317 : vector<16xf32>
    %add3A_319 = arith.constant 1.000000e+00 : f32
    %add3A_320 = vector.broadcast %add3A_319 : f32 to vector<16xf32>
    %add3A_321 = arith.addf %add3A_320, %exp3A_318 : vector<16xf32>
    %div3A_322 = arith.constant 1.000000e+00 : f32
    %div3A_323 = vector.broadcast %div3A_322 : f32 to vector<16xf32>
    %div3A_324 = arith.divf %div3A_323, %add3A_321 : vector<16xf32>
    %swap3A_325 = arith.constant 80 : index
    %swap3A_326 = tpu.vector_load %arg8[%swap3A_325] {strides = array<i32>} : memref<128xf32, #tpu.memory_space<vmem>>, vector<16xf32>,
    %swap3A_327 = vector.shape_cast %swap3A_326 : vector<16xf32> to vector<16xf32>
    %swap3A_328 = vector.shape_cast %div3A_324 : vector<16xf32> to vector<16xf32>
    tpu.vector_store %arg8[%swap3A_325], %swap3A_328 {strides = array<i32>} : memref<128xf32, #tpu.memory_space<vmem>>, vector<16xf32>,
    %mul3A_329 = arith.constant 5.000000e-03 : f32
    %mul3A_330 = vector.broadcast %mul3A_329 : f32 to vector<16xf32>
    %mul3A_331 = arith.mulf %scan3A_225#6, %mul3A_330 : vector<16xf32>
    %neg3A_332 = arith.constant 0.000000e+00 : f32
    %neg3A_333 = vector.broadcast %neg3A_332 : f32 to vector<16xf32>
    %neg3A_334 = arith.subf %neg3A_333, %mul3A_331 : vector<16xf32>
    %exp3A_335 = math.exp %neg3A_334 : vector<16xf32>
    %add3A_336 = arith.constant 1.000000e+00 : f32
    %add3A_337 = vector.broadcast %add3A_336 : f32 to vector<16xf32>
    %add3A_338 = arith.addf %add3A_337, %exp3A_335 : vector<16xf32>
    %div3A_339 = arith.constant 1.000000e+00 : f32
    %div3A_340 = vector.broadcast %div3A_339 : f32 to vector<16xf32>
    %div3A_341 = arith.divf %div3A_340, %add3A_338 : vector<16xf32>
    %swap3A_342 = arith.constant 96 : index
    %swap3A_343 = tpu.vector_load %arg8[%swap3A_342] {strides = array<i32>} : memref<128xf32, #tpu.memory_space<vmem>>, vector<16xf32>,
    %swap3A_344 = vector.shape_cast %swap3A_343 : vector<16xf32> to vector<16xf32>
    %swap3A_345 = vector.shape_cast %div3A_341 : vector<16xf32> to vector<16xf32>
    tpu.vector_store %arg8[%swap3A_342], %swap3A_345 {strides = array<i32>} : memref<128xf32, #tpu.memory_space<vmem>>, vector<16xf32>,
    %mul3A_346 = arith.constant 5.000000e-03 : f32
    %mul3A_347 = vector.broadcast %mul3A_346 : f32 to vector<16xf32>
    %mul3A_348 = arith.mulf %scan3A_225#7, %mul3A_347 : vector<16xf32>
    %neg3A_349 = arith.constant 0.000000e+00 : f32
    %neg3A_350 = vector.broadcast %neg3A_349 : f32 to vector<16xf32>
    %neg3A_351 = arith.subf %neg3A_350, %mul3A_348 : vector<16xf32>
    %exp3A_352 = math.exp %neg3A_351 : vector<16xf32>
    %add3A_353 = arith.constant 1.000000e+00 : f32
    %add3A_354 = vector.broadcast %add3A_353 : f32 to vector<16xf32>
    %add3A_355 = arith.addf %add3A_354, %exp3A_352 : vector<16xf32>
    %div3A_356 = arith.constant 1.000000e+00 : f32
    %div3A_357 = vector.broadcast %div3A_356 : f32 to vector<16xf32>
    %div3A_358 = arith.divf %div3A_357, %add3A_355 : vector<16xf32>
    %swap3A_359 = arith.constant 112 : index
    %swap3A_360 = tpu.vector_load %arg8[%swap3A_359] {strides = array<i32>} : memref<128xf32, #tpu.memory_space<vmem>>, vector<16xf32>,
    %swap3A_361 = vector.shape_cast %swap3A_360 : vector<16xf32> to vector<16xf32>
    %swap3A_362 = vector.shape_cast %div3A_358 : vector<16xf32> to vector<16xf32>
    tpu.vector_store %arg8[%swap3A_359], %swap3A_362 {strides = array<i32>} : memref<128xf32, #tpu.memory_space<vmem>>, vector<16xf32>,
    %add3A_363 = arith.constant 128 : i32
    %add3A_364 = arith.addi %mul3A_2, %add3A_363 : i32
    "tpu.region"() ({
      %run_scoped3A = tpu.sem_alloc : memref<!tpu.dma_semaphore, #tpu.memory_space<semaphore_mem>>
      %dma_start3A_707 = tpu.memref_slice %arg4[%add3A_364] : memref<16384xf32, #tpu.memory_space<hbm>> -> memref<128xf32, #tpu.memory_space<hbm>>
      %dma_start3A_708 = tpu.memref_slice %arg4[%add3A_364] : memref<16384xf32, #tpu.memory_space<hbm>> -> memref<128xf32, #tpu.memory_space<hbm>>
      tpu.enqueue_dma source(%arg8 : memref<128xf32, #tpu.memory_space<vmem>>) target(%dma_start3A_708 : memref<128xf32, #tpu.memory_space<hbm>>) target_semaphore(%run_scoped3A : memref<!tpu.dma_semaphore, #tpu.memory_space<semaphore_mem>>)
      %dma_wait3A_709 = tpu.memref_slice %arg4[%add3A_364] : memref<16384xf32, #tpu.memory_space<hbm>> -> memref<128xf32, #tpu.memory_space<hbm>>
      %dma_wait3A_710 = tpu.memref_slice %arg4[%add3A_364] : memref<16384xf32, #tpu.memory_space<hbm>> -> memref<128xf32, #tpu.memory_space<hbm>>
      tpu.wait_dma2 semaphore(%run_scoped3A : memref<!tpu.dma_semaphore, #tpu.memory_space<semaphore_mem>>) src(%arg8 : memref<128xf32, #tpu.memory_space<vmem>>) dst(%dma_wait3A_710 : memref<128xf32, #tpu.memory_space<hbm>>)
      tpu.yield
    }) : () -> ()
    %dma_wait3A_365 = tpu.memref_slice %arg3[%mul3A_202] : memref<3276800xi32, #tpu.memory_space<hbm>> -> memref<25600xi32, #tpu.memory_space<hbm>>
    %dma_wait3A_366 = tpu.memref_slice %arg3[%mul3A_202] : memref<3276800xi32, #tpu.memory_space<hbm>> -> memref<25600xi32, #tpu.memory_space<hbm>>
    tpu.wait_dma2 semaphore(%arg10 : memref<!tpu.dma_semaphore, #tpu.memory_space<semaphore_mem>>) src(%dma_wait3A_366 : memref<25600xi32, #tpu.memory_space<hbm>>) dst(%arg6 : memref<25600xi32, #tpu.memory_space<vmem>>)
    %dma_start3A_367 = arith.constant 0 : i32
    %dma_start3A_368 = tpu.memref_slice %arg5[%dma_start3A_367] : memref<1007616xf32, #tpu.memory_space<vmem_shared>> -> memref<1007616xf32, #tpu.memory_space<vmem_shared>>
    tpu.enqueue_indirect_dma source(%dma_start3A_368 : memref<1007616xf32, #tpu.memory_space<vmem_shared>>) target(%arg7 : memref<25600xf32, #tpu.memory_space<vmem>>) offsets(%arg6 : memref<25600xi32, #tpu.memory_space<vmem>>) semaphore(%arg11 : memref<!tpu.dma_semaphore, #tpu.memory_space<semaphore_mem>>)
    %dma_wait3A_369 = arith.constant 0 : i32
    %dma_wait3A_370 = tpu.memref_slice %arg5[%dma_wait3A_369] : memref<1007616xf32, #tpu.memory_space<vmem_shared>> -> memref<1007616xf32, #tpu.memory_space<vmem_shared>>
    tpu.wait_indirect_dma semaphore(%arg11 : memref<!tpu.dma_semaphore, #tpu.memory_space<semaphore_mem>>) src(%dma_wait3A_370 : memref<1007616xf32, #tpu.memory_space<vmem_shared>>) dst(%arg7 : memref<25600xf32, #tpu.memory_space<vmem>>)
    %mul3A_371 = arith.constant 4 : i32
    %mul3A_372 = arith.muli %add3A, %mul3A_371 : i32
    %add3A_373 = arith.constant 3 : i32
    %add3A_374 = arith.addi %mul3A_372, %add3A_373 : i32
    %mul3A_375 = arith.constant 200 : i32
    %mul3A_376 = arith.muli %add3A_374, %mul3A_375 : i32
    %mul3A_377 = arith.constant 128 : i32
    %mul3A_378 = arith.muli %mul3A_376, %mul3A_377 : i32
    %dma_start3A_379 = tpu.memref_slice %arg3[%mul3A_378] : memref<3276800xi32, #tpu.memory_space<hbm>> -> memref<25600xi32, #tpu.memory_space<hbm>>
    %dma_start3A_380 = tpu.memref_slice %arg3[%mul3A_378] : memref<3276800xi32, #tpu.memory_space<hbm>> -> memref<25600xi32, #tpu.memory_space<hbm>>
    tpu.enqueue_dma source(%dma_start3A_380 : memref<25600xi32, #tpu.memory_space<hbm>>) target(%arg6 : memref<25600xi32, #tpu.memory_space<vmem>>) target_semaphore(%arg10 : memref<!tpu.dma_semaphore, #tpu.memory_space<semaphore_mem>>)
    %broadcast_in_dim3A_381 = arith.constant 0.000000e+00 : f32
    %broadcast_in_dim3A_382 = vector.broadcast %broadcast_in_dim3A_381 : f32 to vector<16xf32>
    %broadcast_in_dim3A_383 = arith.constant 0.000000e+00 : f32
    %broadcast_in_dim3A_384 = vector.broadcast %broadcast_in_dim3A_383 : f32 to vector<16xf32>
    %broadcast_in_dim3A_385 = arith.constant 0.000000e+00 : f32
    %broadcast_in_dim3A_386 = vector.broadcast %broadcast_in_dim3A_385 : f32 to vector<16xf32>
    %broadcast_in_dim3A_387 = arith.constant 0.000000e+00 : f32
    %broadcast_in_dim3A_388 = vector.broadcast %broadcast_in_dim3A_387 : f32 to vector<16xf32>
    %broadcast_in_dim3A_389 = arith.constant 0.000000e+00 : f32
    %broadcast_in_dim3A_390 = vector.broadcast %broadcast_in_dim3A_389 : f32 to vector<16xf32>
    %broadcast_in_dim3A_391 = arith.constant 0.000000e+00 : f32
    %broadcast_in_dim3A_392 = vector.broadcast %broadcast_in_dim3A_391 : f32 to vector<16xf32>
    %broadcast_in_dim3A_393 = arith.constant 0.000000e+00 : f32
    %broadcast_in_dim3A_394 = vector.broadcast %broadcast_in_dim3A_393 : f32 to vector<16xf32>
    %broadcast_in_dim3A_395 = arith.constant 0.000000e+00 : f32
    %broadcast_in_dim3A_396 = vector.broadcast %broadcast_in_dim3A_395 : f32 to vector<16xf32>
    %scan3A_397 = arith.constant 0 : i32
    %scan3A_398 = arith.constant 200 : i32
    %scan3A_399 = arith.addi %scan3A_397, %scan3A_398 : i32
    %scan3A_400 = arith.constant 1 : i32
    %scan3A_401:8 = scf.for %scan3A_707 = %scan3A_397 to %scan3A_399 step %scan3A_400 iter_args(%scan3A_708 = %broadcast_in_dim3A_382, %scan3A_709 = %broadcast_in_dim3A_384, %scan3A_710 = %broadcast_in_dim3A_386, %scan3A_711 = %broadcast_in_dim3A_388, %scan3A_712 = %broadcast_in_dim3A_390, %scan3A_713 = %broadcast_in_dim3A_392, %scan3A_714 = %broadcast_in_dim3A_394, %scan3A_715 = %broadcast_in_dim3A_396) -> (vector<16xf32>, vector<16xf32>, vector<16xf32>, vector<16xf32>, vector<16xf32>, vector<16xf32>, vector<16xf32>, vector<16xf32>)  : i32 {
      %mul3A_716 = arith.constant 128 : i32
      %mul3A_717 = arith.muli %scan3A_707, %mul3A_716 : i32
      %add3A_718 = arith.constant 0 : i32
      %add3A_719 = arith.addi %mul3A_717, %add3A_718 : i32
      %get3A = arith.index_cast %add3A_719 : i32 to index
      %get3A_720 = tpu.vector_load %arg7[%get3A] {strides = array<i32>} : memref<25600xf32, #tpu.memory_space<vmem>>, vector<16xf32>,
      %get3A_721 = vector.shape_cast %get3A_720 : vector<16xf32> to vector<16xf32>
      %add3A_722 = arith.addf %scan3A_708, %get3A_721 : vector<16xf32>
      %mul3A_723 = arith.constant 128 : i32
      %mul3A_724 = arith.muli %scan3A_707, %mul3A_723 : i32
      %add3A_725 = arith.constant 16 : i32
      %add3A_726 = arith.addi %mul3A_724, %add3A_725 : i32
      %get3A_727 = arith.index_cast %add3A_726 : i32 to index
      %get3A_728 = tpu.vector_load %arg7[%get3A_727] {strides = array<i32>} : memref<25600xf32, #tpu.memory_space<vmem>>, vector<16xf32>,
      %get3A_729 = vector.shape_cast %get3A_728 : vector<16xf32> to vector<16xf32>
      %add3A_730 = arith.addf %scan3A_709, %get3A_729 : vector<16xf32>
      %mul3A_731 = arith.constant 128 : i32
      %mul3A_732 = arith.muli %scan3A_707, %mul3A_731 : i32
      %add3A_733 = arith.constant 32 : i32
      %add3A_734 = arith.addi %mul3A_732, %add3A_733 : i32
      %get3A_735 = arith.index_cast %add3A_734 : i32 to index
      %get3A_736 = tpu.vector_load %arg7[%get3A_735] {strides = array<i32>} : memref<25600xf32, #tpu.memory_space<vmem>>, vector<16xf32>,
      %get3A_737 = vector.shape_cast %get3A_736 : vector<16xf32> to vector<16xf32>
      %add3A_738 = arith.addf %scan3A_710, %get3A_737 : vector<16xf32>
      %mul3A_739 = arith.constant 128 : i32
      %mul3A_740 = arith.muli %scan3A_707, %mul3A_739 : i32
      %add3A_741 = arith.constant 48 : i32
      %add3A_742 = arith.addi %mul3A_740, %add3A_741 : i32
      %get3A_743 = arith.index_cast %add3A_742 : i32 to index
      %get3A_744 = tpu.vector_load %arg7[%get3A_743] {strides = array<i32>} : memref<25600xf32, #tpu.memory_space<vmem>>, vector<16xf32>,
      %get3A_745 = vector.shape_cast %get3A_744 : vector<16xf32> to vector<16xf32>
      %add3A_746 = arith.addf %scan3A_711, %get3A_745 : vector<16xf32>
      %mul3A_747 = arith.constant 128 : i32
      %mul3A_748 = arith.muli %scan3A_707, %mul3A_747 : i32
      %add3A_749 = arith.constant 64 : i32
      %add3A_750 = arith.addi %mul3A_748, %add3A_749 : i32
      %get3A_751 = arith.index_cast %add3A_750 : i32 to index
      %get3A_752 = tpu.vector_load %arg7[%get3A_751] {strides = array<i32>} : memref<25600xf32, #tpu.memory_space<vmem>>, vector<16xf32>,
      %get3A_753 = vector.shape_cast %get3A_752 : vector<16xf32> to vector<16xf32>
      %add3A_754 = arith.addf %scan3A_712, %get3A_753 : vector<16xf32>
      %mul3A_755 = arith.constant 128 : i32
      %mul3A_756 = arith.muli %scan3A_707, %mul3A_755 : i32
      %add3A_757 = arith.constant 80 : i32
      %add3A_758 = arith.addi %mul3A_756, %add3A_757 : i32
      %get3A_759 = arith.index_cast %add3A_758 : i32 to index
      %get3A_760 = tpu.vector_load %arg7[%get3A_759] {strides = array<i32>} : memref<25600xf32, #tpu.memory_space<vmem>>, vector<16xf32>,
      %get3A_761 = vector.shape_cast %get3A_760 : vector<16xf32> to vector<16xf32>
      %add3A_762 = arith.addf %scan3A_713, %get3A_761 : vector<16xf32>
      %mul3A_763 = arith.constant 128 : i32
      %mul3A_764 = arith.muli %scan3A_707, %mul3A_763 : i32
      %add3A_765 = arith.constant 96 : i32
      %add3A_766 = arith.addi %mul3A_764, %add3A_765 : i32
      %get3A_767 = arith.index_cast %add3A_766 : i32 to index
      %get3A_768 = tpu.vector_load %arg7[%get3A_767] {strides = array<i32>} : memref<25600xf32, #tpu.memory_space<vmem>>, vector<16xf32>,
      %get3A_769 = vector.shape_cast %get3A_768 : vector<16xf32> to vector<16xf32>
      %add3A_770 = arith.addf %scan3A_714, %get3A_769 : vector<16xf32>
      %mul3A_771 = arith.constant 128 : i32
      %mul3A_772 = arith.muli %scan3A_707, %mul3A_771 : i32
      %add3A_773 = arith.constant 112 : i32
      %add3A_774 = arith.addi %mul3A_772, %add3A_773 : i32
      %get3A_775 = arith.index_cast %add3A_774 : i32 to index
      %get3A_776 = tpu.vector_load %arg7[%get3A_775] {strides = array<i32>} : memref<25600xf32, #tpu.memory_space<vmem>>, vector<16xf32>,
      %get3A_777 = vector.shape_cast %get3A_776 : vector<16xf32> to vector<16xf32>
      %add3A_778 = arith.addf %scan3A_715, %get3A_777 : vector<16xf32>
      scf.yield %add3A_722, %add3A_730, %add3A_738, %add3A_746, %add3A_754, %add3A_762, %add3A_770, %add3A_778 : vector<16xf32>, vector<16xf32>, vector<16xf32>, vector<16xf32>, vector<16xf32>, vector<16xf32>, vector<16xf32>, vector<16xf32>
    }
    %scan3A_402 = arith.constant 200 : i32
    %mul3A_403 = arith.constant 5.000000e-03 : f32
    %mul3A_404 = vector.broadcast %mul3A_403 : f32 to vector<16xf32>
    %mul3A_405 = arith.mulf %scan3A_401#0, %mul3A_404 : vector<16xf32>
    %neg3A_406 = arith.constant 0.000000e+00 : f32
    %neg3A_407 = vector.broadcast %neg3A_406 : f32 to vector<16xf32>
    %neg3A_408 = arith.subf %neg3A_407, %mul3A_405 : vector<16xf32>
    %exp3A_409 = math.exp %neg3A_408 : vector<16xf32>
    %add3A_410 = arith.constant 1.000000e+00 : f32
    %add3A_411 = vector.broadcast %add3A_410 : f32 to vector<16xf32>
    %add3A_412 = arith.addf %add3A_411, %exp3A_409 : vector<16xf32>
    %div3A_413 = arith.constant 1.000000e+00 : f32
    %div3A_414 = vector.broadcast %div3A_413 : f32 to vector<16xf32>
    %div3A_415 = arith.divf %div3A_414, %add3A_412 : vector<16xf32>
    %swap3A_416 = arith.constant 0 : index
    %swap3A_417 = tpu.vector_load %arg8[%swap3A_416] {strides = array<i32>} : memref<128xf32, #tpu.memory_space<vmem>>, vector<16xf32>,
    %swap3A_418 = vector.shape_cast %swap3A_417 : vector<16xf32> to vector<16xf32>
    %swap3A_419 = vector.shape_cast %div3A_415 : vector<16xf32> to vector<16xf32>
    tpu.vector_store %arg8[%swap3A_416], %swap3A_419 {strides = array<i32>} : memref<128xf32, #tpu.memory_space<vmem>>, vector<16xf32>,
    %mul3A_420 = arith.constant 5.000000e-03 : f32
    %mul3A_421 = vector.broadcast %mul3A_420 : f32 to vector<16xf32>
    %mul3A_422 = arith.mulf %scan3A_401#1, %mul3A_421 : vector<16xf32>
    %neg3A_423 = arith.constant 0.000000e+00 : f32
    %neg3A_424 = vector.broadcast %neg3A_423 : f32 to vector<16xf32>
    %neg3A_425 = arith.subf %neg3A_424, %mul3A_422 : vector<16xf32>
    %exp3A_426 = math.exp %neg3A_425 : vector<16xf32>
    %add3A_427 = arith.constant 1.000000e+00 : f32
    %add3A_428 = vector.broadcast %add3A_427 : f32 to vector<16xf32>
    %add3A_429 = arith.addf %add3A_428, %exp3A_426 : vector<16xf32>
    %div3A_430 = arith.constant 1.000000e+00 : f32
    %div3A_431 = vector.broadcast %div3A_430 : f32 to vector<16xf32>
    %div3A_432 = arith.divf %div3A_431, %add3A_429 : vector<16xf32>
    %swap3A_433 = arith.constant 16 : index
    %swap3A_434 = tpu.vector_load %arg8[%swap3A_433] {strides = array<i32>} : memref<128xf32, #tpu.memory_space<vmem>>, vector<16xf32>,
    %swap3A_435 = vector.shape_cast %swap3A_434 : vector<16xf32> to vector<16xf32>
    %swap3A_436 = vector.shape_cast %div3A_432 : vector<16xf32> to vector<16xf32>
    tpu.vector_store %arg8[%swap3A_433], %swap3A_436 {strides = array<i32>} : memref<128xf32, #tpu.memory_space<vmem>>, vector<16xf32>,
    %mul3A_437 = arith.constant 5.000000e-03 : f32
    %mul3A_438 = vector.broadcast %mul3A_437 : f32 to vector<16xf32>
    %mul3A_439 = arith.mulf %scan3A_401#2, %mul3A_438 : vector<16xf32>
    %neg3A_440 = arith.constant 0.000000e+00 : f32
    %neg3A_441 = vector.broadcast %neg3A_440 : f32 to vector<16xf32>
    %neg3A_442 = arith.subf %neg3A_441, %mul3A_439 : vector<16xf32>
    %exp3A_443 = math.exp %neg3A_442 : vector<16xf32>
    %add3A_444 = arith.constant 1.000000e+00 : f32
    %add3A_445 = vector.broadcast %add3A_444 : f32 to vector<16xf32>
    %add3A_446 = arith.addf %add3A_445, %exp3A_443 : vector<16xf32>
    %div3A_447 = arith.constant 1.000000e+00 : f32
    %div3A_448 = vector.broadcast %div3A_447 : f32 to vector<16xf32>
    %div3A_449 = arith.divf %div3A_448, %add3A_446 : vector<16xf32>
    %swap3A_450 = arith.constant 32 : index
    %swap3A_451 = tpu.vector_load %arg8[%swap3A_450] {strides = array<i32>} : memref<128xf32, #tpu.memory_space<vmem>>, vector<16xf32>,
    %swap3A_452 = vector.shape_cast %swap3A_451 : vector<16xf32> to vector<16xf32>
    %swap3A_453 = vector.shape_cast %div3A_449 : vector<16xf32> to vector<16xf32>
    tpu.vector_store %arg8[%swap3A_450], %swap3A_453 {strides = array<i32>} : memref<128xf32, #tpu.memory_space<vmem>>, vector<16xf32>,
    %mul3A_454 = arith.constant 5.000000e-03 : f32
    %mul3A_455 = vector.broadcast %mul3A_454 : f32 to vector<16xf32>
    %mul3A_456 = arith.mulf %scan3A_401#3, %mul3A_455 : vector<16xf32>
    %neg3A_457 = arith.constant 0.000000e+00 : f32
    %neg3A_458 = vector.broadcast %neg3A_457 : f32 to vector<16xf32>
    %neg3A_459 = arith.subf %neg3A_458, %mul3A_456 : vector<16xf32>
    %exp3A_460 = math.exp %neg3A_459 : vector<16xf32>
    %add3A_461 = arith.constant 1.000000e+00 : f32
    %add3A_462 = vector.broadcast %add3A_461 : f32 to vector<16xf32>
    %add3A_463 = arith.addf %add3A_462, %exp3A_460 : vector<16xf32>
    %div3A_464 = arith.constant 1.000000e+00 : f32
    %div3A_465 = vector.broadcast %div3A_464 : f32 to vector<16xf32>
    %div3A_466 = arith.divf %div3A_465, %add3A_463 : vector<16xf32>
    %swap3A_467 = arith.constant 48 : index
    %swap3A_468 = tpu.vector_load %arg8[%swap3A_467] {strides = array<i32>} : memref<128xf32, #tpu.memory_space<vmem>>, vector<16xf32>,
    %swap3A_469 = vector.shape_cast %swap3A_468 : vector<16xf32> to vector<16xf32>
    %swap3A_470 = vector.shape_cast %div3A_466 : vector<16xf32> to vector<16xf32>
    tpu.vector_store %arg8[%swap3A_467], %swap3A_470 {strides = array<i32>} : memref<128xf32, #tpu.memory_space<vmem>>, vector<16xf32>,
    %mul3A_471 = arith.constant 5.000000e-03 : f32
    %mul3A_472 = vector.broadcast %mul3A_471 : f32 to vector<16xf32>
    %mul3A_473 = arith.mulf %scan3A_401#4, %mul3A_472 : vector<16xf32>
    %neg3A_474 = arith.constant 0.000000e+00 : f32
    %neg3A_475 = vector.broadcast %neg3A_474 : f32 to vector<16xf32>
    %neg3A_476 = arith.subf %neg3A_475, %mul3A_473 : vector<16xf32>
    %exp3A_477 = math.exp %neg3A_476 : vector<16xf32>
    %add3A_478 = arith.constant 1.000000e+00 : f32
    %add3A_479 = vector.broadcast %add3A_478 : f32 to vector<16xf32>
    %add3A_480 = arith.addf %add3A_479, %exp3A_477 : vector<16xf32>
    %div3A_481 = arith.constant 1.000000e+00 : f32
    %div3A_482 = vector.broadcast %div3A_481 : f32 to vector<16xf32>
    %div3A_483 = arith.divf %div3A_482, %add3A_480 : vector<16xf32>
    %swap3A_484 = arith.constant 64 : index
    %swap3A_485 = tpu.vector_load %arg8[%swap3A_484] {strides = array<i32>} : memref<128xf32, #tpu.memory_space<vmem>>, vector<16xf32>,
    %swap3A_486 = vector.shape_cast %swap3A_485 : vector<16xf32> to vector<16xf32>
    %swap3A_487 = vector.shape_cast %div3A_483 : vector<16xf32> to vector<16xf32>
    tpu.vector_store %arg8[%swap3A_484], %swap3A_487 {strides = array<i32>} : memref<128xf32, #tpu.memory_space<vmem>>, vector<16xf32>,
    %mul3A_488 = arith.constant 5.000000e-03 : f32
    %mul3A_489 = vector.broadcast %mul3A_488 : f32 to vector<16xf32>
    %mul3A_490 = arith.mulf %scan3A_401#5, %mul3A_489 : vector<16xf32>
    %neg3A_491 = arith.constant 0.000000e+00 : f32
    %neg3A_492 = vector.broadcast %neg3A_491 : f32 to vector<16xf32>
    %neg3A_493 = arith.subf %neg3A_492, %mul3A_490 : vector<16xf32>
    %exp3A_494 = math.exp %neg3A_493 : vector<16xf32>
    %add3A_495 = arith.constant 1.000000e+00 : f32
    %add3A_496 = vector.broadcast %add3A_495 : f32 to vector<16xf32>
    %add3A_497 = arith.addf %add3A_496, %exp3A_494 : vector<16xf32>
    %div3A_498 = arith.constant 1.000000e+00 : f32
    %div3A_499 = vector.broadcast %div3A_498 : f32 to vector<16xf32>
    %div3A_500 = arith.divf %div3A_499, %add3A_497 : vector<16xf32>
    %swap3A_501 = arith.constant 80 : index
    %swap3A_502 = tpu.vector_load %arg8[%swap3A_501] {strides = array<i32>} : memref<128xf32, #tpu.memory_space<vmem>>, vector<16xf32>,
    %swap3A_503 = vector.shape_cast %swap3A_502 : vector<16xf32> to vector<16xf32>
    %swap3A_504 = vector.shape_cast %div3A_500 : vector<16xf32> to vector<16xf32>
    tpu.vector_store %arg8[%swap3A_501], %swap3A_504 {strides = array<i32>} : memref<128xf32, #tpu.memory_space<vmem>>, vector<16xf32>,
    %mul3A_505 = arith.constant 5.000000e-03 : f32
    %mul3A_506 = vector.broadcast %mul3A_505 : f32 to vector<16xf32>
    %mul3A_507 = arith.mulf %scan3A_401#6, %mul3A_506 : vector<16xf32>
    %neg3A_508 = arith.constant 0.000000e+00 : f32
    %neg3A_509 = vector.broadcast %neg3A_508 : f32 to vector<16xf32>
    %neg3A_510 = arith.subf %neg3A_509, %mul3A_507 : vector<16xf32>
    %exp3A_511 = math.exp %neg3A_510 : vector<16xf32>
    %add3A_512 = arith.constant 1.000000e+00 : f32
    %add3A_513 = vector.broadcast %add3A_512 : f32 to vector<16xf32>
    %add3A_514 = arith.addf %add3A_513, %exp3A_511 : vector<16xf32>
    %div3A_515 = arith.constant 1.000000e+00 : f32
    %div3A_516 = vector.broadcast %div3A_515 : f32 to vector<16xf32>
    %div3A_517 = arith.divf %div3A_516, %add3A_514 : vector<16xf32>
    %swap3A_518 = arith.constant 96 : index
    %swap3A_519 = tpu.vector_load %arg8[%swap3A_518] {strides = array<i32>} : memref<128xf32, #tpu.memory_space<vmem>>, vector<16xf32>,
    %swap3A_520 = vector.shape_cast %swap3A_519 : vector<16xf32> to vector<16xf32>
    %swap3A_521 = vector.shape_cast %div3A_517 : vector<16xf32> to vector<16xf32>
    tpu.vector_store %arg8[%swap3A_518], %swap3A_521 {strides = array<i32>} : memref<128xf32, #tpu.memory_space<vmem>>, vector<16xf32>,
    %mul3A_522 = arith.constant 5.000000e-03 : f32
    %mul3A_523 = vector.broadcast %mul3A_522 : f32 to vector<16xf32>
    %mul3A_524 = arith.mulf %scan3A_401#7, %mul3A_523 : vector<16xf32>
    %neg3A_525 = arith.constant 0.000000e+00 : f32
    %neg3A_526 = vector.broadcast %neg3A_525 : f32 to vector<16xf32>
    %neg3A_527 = arith.subf %neg3A_526, %mul3A_524 : vector<16xf32>
    %exp3A_528 = math.exp %neg3A_527 : vector<16xf32>
    %add3A_529 = arith.constant 1.000000e+00 : f32
    %add3A_530 = vector.broadcast %add3A_529 : f32 to vector<16xf32>
    %add3A_531 = arith.addf %add3A_530, %exp3A_528 : vector<16xf32>
    %div3A_532 = arith.constant 1.000000e+00 : f32
    %div3A_533 = vector.broadcast %div3A_532 : f32 to vector<16xf32>
    %div3A_534 = arith.divf %div3A_533, %add3A_531 : vector<16xf32>
    %swap3A_535 = arith.constant 112 : index
    %swap3A_536 = tpu.vector_load %arg8[%swap3A_535] {strides = array<i32>} : memref<128xf32, #tpu.memory_space<vmem>>, vector<16xf32>,
    %swap3A_537 = vector.shape_cast %swap3A_536 : vector<16xf32> to vector<16xf32>
    %swap3A_538 = vector.shape_cast %div3A_534 : vector<16xf32> to vector<16xf32>
    tpu.vector_store %arg8[%swap3A_535], %swap3A_538 {strides = array<i32>} : memref<128xf32, #tpu.memory_space<vmem>>, vector<16xf32>,
    %add3A_539 = arith.constant 256 : i32
    %add3A_540 = arith.addi %mul3A_2, %add3A_539 : i32
    "tpu.region"() ({
      %run_scoped3A = tpu.sem_alloc : memref<!tpu.dma_semaphore, #tpu.memory_space<semaphore_mem>>
      %dma_start3A_707 = tpu.memref_slice %arg4[%add3A_540] : memref<16384xf32, #tpu.memory_space<hbm>> -> memref<128xf32, #tpu.memory_space<hbm>>
      %dma_start3A_708 = tpu.memref_slice %arg4[%add3A_540] : memref<16384xf32, #tpu.memory_space<hbm>> -> memref<128xf32, #tpu.memory_space<hbm>>
      tpu.enqueue_dma source(%arg8 : memref<128xf32, #tpu.memory_space<vmem>>) target(%dma_start3A_708 : memref<128xf32, #tpu.memory_space<hbm>>) target_semaphore(%run_scoped3A : memref<!tpu.dma_semaphore, #tpu.memory_space<semaphore_mem>>)
      %dma_wait3A_709 = tpu.memref_slice %arg4[%add3A_540] : memref<16384xf32, #tpu.memory_space<hbm>> -> memref<128xf32, #tpu.memory_space<hbm>>
      %dma_wait3A_710 = tpu.memref_slice %arg4[%add3A_540] : memref<16384xf32, #tpu.memory_space<hbm>> -> memref<128xf32, #tpu.memory_space<hbm>>
      tpu.wait_dma2 semaphore(%run_scoped3A : memref<!tpu.dma_semaphore, #tpu.memory_space<semaphore_mem>>) src(%arg8 : memref<128xf32, #tpu.memory_space<vmem>>) dst(%dma_wait3A_710 : memref<128xf32, #tpu.memory_space<hbm>>)
      tpu.yield
    }) : () -> ()
    %dma_wait3A_541 = tpu.memref_slice %arg3[%mul3A_378] : memref<3276800xi32, #tpu.memory_space<hbm>> -> memref<25600xi32, #tpu.memory_space<hbm>>
    %dma_wait3A_542 = tpu.memref_slice %arg3[%mul3A_378] : memref<3276800xi32, #tpu.memory_space<hbm>> -> memref<25600xi32, #tpu.memory_space<hbm>>
    tpu.wait_dma2 semaphore(%arg10 : memref<!tpu.dma_semaphore, #tpu.memory_space<semaphore_mem>>) src(%dma_wait3A_542 : memref<25600xi32, #tpu.memory_space<hbm>>) dst(%arg6 : memref<25600xi32, #tpu.memory_space<vmem>>)
    %dma_start3A_543 = arith.constant 0 : i32
    %dma_start3A_544 = tpu.memref_slice %arg5[%dma_start3A_543] : memref<1007616xf32, #tpu.memory_space<vmem_shared>> -> memref<1007616xf32, #tpu.memory_space<vmem_shared>>
    tpu.enqueue_indirect_dma source(%dma_start3A_544 : memref<1007616xf32, #tpu.memory_space<vmem_shared>>) target(%arg7 : memref<25600xf32, #tpu.memory_space<vmem>>) offsets(%arg6 : memref<25600xi32, #tpu.memory_space<vmem>>) semaphore(%arg11 : memref<!tpu.dma_semaphore, #tpu.memory_space<semaphore_mem>>)
    %dma_wait3A_545 = arith.constant 0 : i32
    %dma_wait3A_546 = tpu.memref_slice %arg5[%dma_wait3A_545] : memref<1007616xf32, #tpu.memory_space<vmem_shared>> -> memref<1007616xf32, #tpu.memory_space<vmem_shared>>
    tpu.wait_indirect_dma semaphore(%arg11 : memref<!tpu.dma_semaphore, #tpu.memory_space<semaphore_mem>>) src(%dma_wait3A_546 : memref<1007616xf32, #tpu.memory_space<vmem_shared>>) dst(%arg7 : memref<25600xf32, #tpu.memory_space<vmem>>)
    %broadcast_in_dim3A_547 = arith.constant 0.000000e+00 : f32
    %broadcast_in_dim3A_548 = vector.broadcast %broadcast_in_dim3A_547 : f32 to vector<16xf32>
    %broadcast_in_dim3A_549 = arith.constant 0.000000e+00 : f32
    %broadcast_in_dim3A_550 = vector.broadcast %broadcast_in_dim3A_549 : f32 to vector<16xf32>
    %broadcast_in_dim3A_551 = arith.constant 0.000000e+00 : f32
    %broadcast_in_dim3A_552 = vector.broadcast %broadcast_in_dim3A_551 : f32 to vector<16xf32>
    %broadcast_in_dim3A_553 = arith.constant 0.000000e+00 : f32
    %broadcast_in_dim3A_554 = vector.broadcast %broadcast_in_dim3A_553 : f32 to vector<16xf32>
    %broadcast_in_dim3A_555 = arith.constant 0.000000e+00 : f32
    %broadcast_in_dim3A_556 = vector.broadcast %broadcast_in_dim3A_555 : f32 to vector<16xf32>
    %broadcast_in_dim3A_557 = arith.constant 0.000000e+00 : f32
    %broadcast_in_dim3A_558 = vector.broadcast %broadcast_in_dim3A_557 : f32 to vector<16xf32>
    %broadcast_in_dim3A_559 = arith.constant 0.000000e+00 : f32
    %broadcast_in_dim3A_560 = vector.broadcast %broadcast_in_dim3A_559 : f32 to vector<16xf32>
    %broadcast_in_dim3A_561 = arith.constant 0.000000e+00 : f32
    %broadcast_in_dim3A_562 = vector.broadcast %broadcast_in_dim3A_561 : f32 to vector<16xf32>
    %scan3A_563 = arith.constant 0 : i32
    %scan3A_564 = arith.constant 200 : i32
    %scan3A_565 = arith.addi %scan3A_563, %scan3A_564 : i32
    %scan3A_566 = arith.constant 1 : i32
    %scan3A_567:8 = scf.for %scan3A_707 = %scan3A_563 to %scan3A_565 step %scan3A_566 iter_args(%scan3A_708 = %broadcast_in_dim3A_548, %scan3A_709 = %broadcast_in_dim3A_550, %scan3A_710 = %broadcast_in_dim3A_552, %scan3A_711 = %broadcast_in_dim3A_554, %scan3A_712 = %broadcast_in_dim3A_556, %scan3A_713 = %broadcast_in_dim3A_558, %scan3A_714 = %broadcast_in_dim3A_560, %scan3A_715 = %broadcast_in_dim3A_562) -> (vector<16xf32>, vector<16xf32>, vector<16xf32>, vector<16xf32>, vector<16xf32>, vector<16xf32>, vector<16xf32>, vector<16xf32>)  : i32 {
      %mul3A_716 = arith.constant 128 : i32
      %mul3A_717 = arith.muli %scan3A_707, %mul3A_716 : i32
      %add3A_718 = arith.constant 0 : i32
      %add3A_719 = arith.addi %mul3A_717, %add3A_718 : i32
      %get3A = arith.index_cast %add3A_719 : i32 to index
      %get3A_720 = tpu.vector_load %arg7[%get3A] {strides = array<i32>} : memref<25600xf32, #tpu.memory_space<vmem>>, vector<16xf32>,
      %get3A_721 = vector.shape_cast %get3A_720 : vector<16xf32> to vector<16xf32>
      %add3A_722 = arith.addf %scan3A_708, %get3A_721 : vector<16xf32>
      %mul3A_723 = arith.constant 128 : i32
      %mul3A_724 = arith.muli %scan3A_707, %mul3A_723 : i32
      %add3A_725 = arith.constant 16 : i32
      %add3A_726 = arith.addi %mul3A_724, %add3A_725 : i32
      %get3A_727 = arith.index_cast %add3A_726 : i32 to index
      %get3A_728 = tpu.vector_load %arg7[%get3A_727] {strides = array<i32>} : memref<25600xf32, #tpu.memory_space<vmem>>, vector<16xf32>,
      %get3A_729 = vector.shape_cast %get3A_728 : vector<16xf32> to vector<16xf32>
      %add3A_730 = arith.addf %scan3A_709, %get3A_729 : vector<16xf32>
      %mul3A_731 = arith.constant 128 : i32
      %mul3A_732 = arith.muli %scan3A_707, %mul3A_731 : i32
      %add3A_733 = arith.constant 32 : i32
      %add3A_734 = arith.addi %mul3A_732, %add3A_733 : i32
      %get3A_735 = arith.index_cast %add3A_734 : i32 to index
      %get3A_736 = tpu.vector_load %arg7[%get3A_735] {strides = array<i32>} : memref<25600xf32, #tpu.memory_space<vmem>>, vector<16xf32>,
      %get3A_737 = vector.shape_cast %get3A_736 : vector<16xf32> to vector<16xf32>
      %add3A_738 = arith.addf %scan3A_710, %get3A_737 : vector<16xf32>
      %mul3A_739 = arith.constant 128 : i32
      %mul3A_740 = arith.muli %scan3A_707, %mul3A_739 : i32
      %add3A_741 = arith.constant 48 : i32
      %add3A_742 = arith.addi %mul3A_740, %add3A_741 : i32
      %get3A_743 = arith.index_cast %add3A_742 : i32 to index
      %get3A_744 = tpu.vector_load %arg7[%get3A_743] {strides = array<i32>} : memref<25600xf32, #tpu.memory_space<vmem>>, vector<16xf32>,
      %get3A_745 = vector.shape_cast %get3A_744 : vector<16xf32> to vector<16xf32>
      %add3A_746 = arith.addf %scan3A_711, %get3A_745 : vector<16xf32>
      %mul3A_747 = arith.constant 128 : i32
      %mul3A_748 = arith.muli %scan3A_707, %mul3A_747 : i32
      %add3A_749 = arith.constant 64 : i32
      %add3A_750 = arith.addi %mul3A_748, %add3A_749 : i32
      %get3A_751 = arith.index_cast %add3A_750 : i32 to index
      %get3A_752 = tpu.vector_load %arg7[%get3A_751] {strides = array<i32>} : memref<25600xf32, #tpu.memory_space<vmem>>, vector<16xf32>,
      %get3A_753 = vector.shape_cast %get3A_752 : vector<16xf32> to vector<16xf32>
      %add3A_754 = arith.addf %scan3A_712, %get3A_753 : vector<16xf32>
      %mul3A_755 = arith.constant 128 : i32
      %mul3A_756 = arith.muli %scan3A_707, %mul3A_755 : i32
      %add3A_757 = arith.constant 80 : i32
      %add3A_758 = arith.addi %mul3A_756, %add3A_757 : i32
      %get3A_759 = arith.index_cast %add3A_758 : i32 to index
      %get3A_760 = tpu.vector_load %arg7[%get3A_759] {strides = array<i32>} : memref<25600xf32, #tpu.memory_space<vmem>>, vector<16xf32>,
      %get3A_761 = vector.shape_cast %get3A_760 : vector<16xf32> to vector<16xf32>
      %add3A_762 = arith.addf %scan3A_713, %get3A_761 : vector<16xf32>
      %mul3A_763 = arith.constant 128 : i32
      %mul3A_764 = arith.muli %scan3A_707, %mul3A_763 : i32
      %add3A_765 = arith.constant 96 : i32
      %add3A_766 = arith.addi %mul3A_764, %add3A_765 : i32
      %get3A_767 = arith.index_cast %add3A_766 : i32 to index
      %get3A_768 = tpu.vector_load %arg7[%get3A_767] {strides = array<i32>} : memref<25600xf32, #tpu.memory_space<vmem>>, vector<16xf32>,
      %get3A_769 = vector.shape_cast %get3A_768 : vector<16xf32> to vector<16xf32>
      %add3A_770 = arith.addf %scan3A_714, %get3A_769 : vector<16xf32>
      %mul3A_771 = arith.constant 128 : i32
      %mul3A_772 = arith.muli %scan3A_707, %mul3A_771 : i32
      %add3A_773 = arith.constant 112 : i32
      %add3A_774 = arith.addi %mul3A_772, %add3A_773 : i32
      %get3A_775 = arith.index_cast %add3A_774 : i32 to index
      %get3A_776 = tpu.vector_load %arg7[%get3A_775] {strides = array<i32>} : memref<25600xf32, #tpu.memory_space<vmem>>, vector<16xf32>,
      %get3A_777 = vector.shape_cast %get3A_776 : vector<16xf32> to vector<16xf32>
      %add3A_778 = arith.addf %scan3A_715, %get3A_777 : vector<16xf32>
      scf.yield %add3A_722, %add3A_730, %add3A_738, %add3A_746, %add3A_754, %add3A_762, %add3A_770, %add3A_778 : vector<16xf32>, vector<16xf32>, vector<16xf32>, vector<16xf32>, vector<16xf32>, vector<16xf32>, vector<16xf32>, vector<16xf32>
    }
    %scan3A_568 = arith.constant 200 : i32
    %mul3A_569 = arith.constant 5.000000e-03 : f32
    %mul3A_570 = vector.broadcast %mul3A_569 : f32 to vector<16xf32>
    %mul3A_571 = arith.mulf %scan3A_567#0, %mul3A_570 : vector<16xf32>
    %neg3A_572 = arith.constant 0.000000e+00 : f32
    %neg3A_573 = vector.broadcast %neg3A_572 : f32 to vector<16xf32>
    %neg3A_574 = arith.subf %neg3A_573, %mul3A_571 : vector<16xf32>
    %exp3A_575 = math.exp %neg3A_574 : vector<16xf32>
    %add3A_576 = arith.constant 1.000000e+00 : f32
    %add3A_577 = vector.broadcast %add3A_576 : f32 to vector<16xf32>
    %add3A_578 = arith.addf %add3A_577, %exp3A_575 : vector<16xf32>
    %div3A_579 = arith.constant 1.000000e+00 : f32
    %div3A_580 = vector.broadcast %div3A_579 : f32 to vector<16xf32>
    %div3A_581 = arith.divf %div3A_580, %add3A_578 : vector<16xf32>
    %swap3A_582 = arith.constant 0 : index
    %swap3A_583 = tpu.vector_load %arg8[%swap3A_582] {strides = array<i32>} : memref<128xf32, #tpu.memory_space<vmem>>, vector<16xf32>,
    %swap3A_584 = vector.shape_cast %swap3A_583 : vector<16xf32> to vector<16xf32>
    %swap3A_585 = vector.shape_cast %div3A_581 : vector<16xf32> to vector<16xf32>
    tpu.vector_store %arg8[%swap3A_582], %swap3A_585 {strides = array<i32>} : memref<128xf32, #tpu.memory_space<vmem>>, vector<16xf32>,
    %mul3A_586 = arith.constant 5.000000e-03 : f32
    %mul3A_587 = vector.broadcast %mul3A_586 : f32 to vector<16xf32>
    %mul3A_588 = arith.mulf %scan3A_567#1, %mul3A_587 : vector<16xf32>
    %neg3A_589 = arith.constant 0.000000e+00 : f32
    %neg3A_590 = vector.broadcast %neg3A_589 : f32 to vector<16xf32>
    %neg3A_591 = arith.subf %neg3A_590, %mul3A_588 : vector<16xf32>
    %exp3A_592 = math.exp %neg3A_591 : vector<16xf32>
    %add3A_593 = arith.constant 1.000000e+00 : f32
    %add3A_594 = vector.broadcast %add3A_593 : f32 to vector<16xf32>
    %add3A_595 = arith.addf %add3A_594, %exp3A_592 : vector<16xf32>
    %div3A_596 = arith.constant 1.000000e+00 : f32
    %div3A_597 = vector.broadcast %div3A_596 : f32 to vector<16xf32>
    %div3A_598 = arith.divf %div3A_597, %add3A_595 : vector<16xf32>
    %swap3A_599 = arith.constant 16 : index
    %swap3A_600 = tpu.vector_load %arg8[%swap3A_599] {strides = array<i32>} : memref<128xf32, #tpu.memory_space<vmem>>, vector<16xf32>,
    %swap3A_601 = vector.shape_cast %swap3A_600 : vector<16xf32> to vector<16xf32>
    %swap3A_602 = vector.shape_cast %div3A_598 : vector<16xf32> to vector<16xf32>
    tpu.vector_store %arg8[%swap3A_599], %swap3A_602 {strides = array<i32>} : memref<128xf32, #tpu.memory_space<vmem>>, vector<16xf32>,
    %mul3A_603 = arith.constant 5.000000e-03 : f32
    %mul3A_604 = vector.broadcast %mul3A_603 : f32 to vector<16xf32>
    %mul3A_605 = arith.mulf %scan3A_567#2, %mul3A_604 : vector<16xf32>
    %neg3A_606 = arith.constant 0.000000e+00 : f32
    %neg3A_607 = vector.broadcast %neg3A_606 : f32 to vector<16xf32>
    %neg3A_608 = arith.subf %neg3A_607, %mul3A_605 : vector<16xf32>
    %exp3A_609 = math.exp %neg3A_608 : vector<16xf32>
    %add3A_610 = arith.constant 1.000000e+00 : f32
    %add3A_611 = vector.broadcast %add3A_610 : f32 to vector<16xf32>
    %add3A_612 = arith.addf %add3A_611, %exp3A_609 : vector<16xf32>
    %div3A_613 = arith.constant 1.000000e+00 : f32
    %div3A_614 = vector.broadcast %div3A_613 : f32 to vector<16xf32>
    %div3A_615 = arith.divf %div3A_614, %add3A_612 : vector<16xf32>
    %swap3A_616 = arith.constant 32 : index
    %swap3A_617 = tpu.vector_load %arg8[%swap3A_616] {strides = array<i32>} : memref<128xf32, #tpu.memory_space<vmem>>, vector<16xf32>,
    %swap3A_618 = vector.shape_cast %swap3A_617 : vector<16xf32> to vector<16xf32>
    %swap3A_619 = vector.shape_cast %div3A_615 : vector<16xf32> to vector<16xf32>
    tpu.vector_store %arg8[%swap3A_616], %swap3A_619 {strides = array<i32>} : memref<128xf32, #tpu.memory_space<vmem>>, vector<16xf32>,
    %mul3A_620 = arith.constant 5.000000e-03 : f32
    %mul3A_621 = vector.broadcast %mul3A_620 : f32 to vector<16xf32>
    %mul3A_622 = arith.mulf %scan3A_567#3, %mul3A_621 : vector<16xf32>
    %neg3A_623 = arith.constant 0.000000e+00 : f32
    %neg3A_624 = vector.broadcast %neg3A_623 : f32 to vector<16xf32>
    %neg3A_625 = arith.subf %neg3A_624, %mul3A_622 : vector<16xf32>
    %exp3A_626 = math.exp %neg3A_625 : vector<16xf32>
    %add3A_627 = arith.constant 1.000000e+00 : f32
    %add3A_628 = vector.broadcast %add3A_627 : f32 to vector<16xf32>
    %add3A_629 = arith.addf %add3A_628, %exp3A_626 : vector<16xf32>
    %div3A_630 = arith.constant 1.000000e+00 : f32
    %div3A_631 = vector.broadcast %div3A_630 : f32 to vector<16xf32>
    %div3A_632 = arith.divf %div3A_631, %add3A_629 : vector<16xf32>
    %swap3A_633 = arith.constant 48 : index
    %swap3A_634 = tpu.vector_load %arg8[%swap3A_633] {strides = array<i32>} : memref<128xf32, #tpu.memory_space<vmem>>, vector<16xf32>,
    %swap3A_635 = vector.shape_cast %swap3A_634 : vector<16xf32> to vector<16xf32>
    %swap3A_636 = vector.shape_cast %div3A_632 : vector<16xf32> to vector<16xf32>
    tpu.vector_store %arg8[%swap3A_633], %swap3A_636 {strides = array<i32>} : memref<128xf32, #tpu.memory_space<vmem>>, vector<16xf32>,
    %mul3A_637 = arith.constant 5.000000e-03 : f32
    %mul3A_638 = vector.broadcast %mul3A_637 : f32 to vector<16xf32>
    %mul3A_639 = arith.mulf %scan3A_567#4, %mul3A_638 : vector<16xf32>
    %neg3A_640 = arith.constant 0.000000e+00 : f32
    %neg3A_641 = vector.broadcast %neg3A_640 : f32 to vector<16xf32>
    %neg3A_642 = arith.subf %neg3A_641, %mul3A_639 : vector<16xf32>
    %exp3A_643 = math.exp %neg3A_642 : vector<16xf32>
    %add3A_644 = arith.constant 1.000000e+00 : f32
    %add3A_645 = vector.broadcast %add3A_644 : f32 to vector<16xf32>
    %add3A_646 = arith.addf %add3A_645, %exp3A_643 : vector<16xf32>
    %div3A_647 = arith.constant 1.000000e+00 : f32
    %div3A_648 = vector.broadcast %div3A_647 : f32 to vector<16xf32>
    %div3A_649 = arith.divf %div3A_648, %add3A_646 : vector<16xf32>
    %swap3A_650 = arith.constant 64 : index
    %swap3A_651 = tpu.vector_load %arg8[%swap3A_650] {strides = array<i32>} : memref<128xf32, #tpu.memory_space<vmem>>, vector<16xf32>,
    %swap3A_652 = vector.shape_cast %swap3A_651 : vector<16xf32> to vector<16xf32>
    %swap3A_653 = vector.shape_cast %div3A_649 : vector<16xf32> to vector<16xf32>
    tpu.vector_store %arg8[%swap3A_650], %swap3A_653 {strides = array<i32>} : memref<128xf32, #tpu.memory_space<vmem>>, vector<16xf32>,
    %mul3A_654 = arith.constant 5.000000e-03 : f32
    %mul3A_655 = vector.broadcast %mul3A_654 : f32 to vector<16xf32>
    %mul3A_656 = arith.mulf %scan3A_567#5, %mul3A_655 : vector<16xf32>
    %neg3A_657 = arith.constant 0.000000e+00 : f32
    %neg3A_658 = vector.broadcast %neg3A_657 : f32 to vector<16xf32>
    %neg3A_659 = arith.subf %neg3A_658, %mul3A_656 : vector<16xf32>
    %exp3A_660 = math.exp %neg3A_659 : vector<16xf32>
    %add3A_661 = arith.constant 1.000000e+00 : f32
    %add3A_662 = vector.broadcast %add3A_661 : f32 to vector<16xf32>
    %add3A_663 = arith.addf %add3A_662, %exp3A_660 : vector<16xf32>
    %div3A_664 = arith.constant 1.000000e+00 : f32
    %div3A_665 = vector.broadcast %div3A_664 : f32 to vector<16xf32>
    %div3A_666 = arith.divf %div3A_665, %add3A_663 : vector<16xf32>
    %swap3A_667 = arith.constant 80 : index
    %swap3A_668 = tpu.vector_load %arg8[%swap3A_667] {strides = array<i32>} : memref<128xf32, #tpu.memory_space<vmem>>, vector<16xf32>,
    %swap3A_669 = vector.shape_cast %swap3A_668 : vector<16xf32> to vector<16xf32>
    %swap3A_670 = vector.shape_cast %div3A_666 : vector<16xf32> to vector<16xf32>
    tpu.vector_store %arg8[%swap3A_667], %swap3A_670 {strides = array<i32>} : memref<128xf32, #tpu.memory_space<vmem>>, vector<16xf32>,
    %mul3A_671 = arith.constant 5.000000e-03 : f32
    %mul3A_672 = vector.broadcast %mul3A_671 : f32 to vector<16xf32>
    %mul3A_673 = arith.mulf %scan3A_567#6, %mul3A_672 : vector<16xf32>
    %neg3A_674 = arith.constant 0.000000e+00 : f32
    %neg3A_675 = vector.broadcast %neg3A_674 : f32 to vector<16xf32>
    %neg3A_676 = arith.subf %neg3A_675, %mul3A_673 : vector<16xf32>
    %exp3A_677 = math.exp %neg3A_676 : vector<16xf32>
    %add3A_678 = arith.constant 1.000000e+00 : f32
    %add3A_679 = vector.broadcast %add3A_678 : f32 to vector<16xf32>
    %add3A_680 = arith.addf %add3A_679, %exp3A_677 : vector<16xf32>
    %div3A_681 = arith.constant 1.000000e+00 : f32
    %div3A_682 = vector.broadcast %div3A_681 : f32 to vector<16xf32>
    %div3A_683 = arith.divf %div3A_682, %add3A_680 : vector<16xf32>
    %swap3A_684 = arith.constant 96 : index
    %swap3A_685 = tpu.vector_load %arg8[%swap3A_684] {strides = array<i32>} : memref<128xf32, #tpu.memory_space<vmem>>, vector<16xf32>,
    %swap3A_686 = vector.shape_cast %swap3A_685 : vector<16xf32> to vector<16xf32>
    %swap3A_687 = vector.shape_cast %div3A_683 : vector<16xf32> to vector<16xf32>
    tpu.vector_store %arg8[%swap3A_684], %swap3A_687 {strides = array<i32>} : memref<128xf32, #tpu.memory_space<vmem>>, vector<16xf32>,
    %mul3A_688 = arith.constant 5.000000e-03 : f32
    %mul3A_689 = vector.broadcast %mul3A_688 : f32 to vector<16xf32>
    %mul3A_690 = arith.mulf %scan3A_567#7, %mul3A_689 : vector<16xf32>
    %neg3A_691 = arith.constant 0.000000e+00 : f32
    %neg3A_692 = vector.broadcast %neg3A_691 : f32 to vector<16xf32>
    %neg3A_693 = arith.subf %neg3A_692, %mul3A_690 : vector<16xf32>
    %exp3A_694 = math.exp %neg3A_693 : vector<16xf32>
    %add3A_695 = arith.constant 1.000000e+00 : f32
    %add3A_696 = vector.broadcast %add3A_695 : f32 to vector<16xf32>
    %add3A_697 = arith.addf %add3A_696, %exp3A_694 : vector<16xf32>
    %div3A_698 = arith.constant 1.000000e+00 : f32
    %div3A_699 = vector.broadcast %div3A_698 : f32 to vector<16xf32>
    %div3A_700 = arith.divf %div3A_699, %add3A_697 : vector<16xf32>
    %swap3A_701 = arith.constant 112 : index
    %swap3A_702 = tpu.vector_load %arg8[%swap3A_701] {strides = array<i32>} : memref<128xf32, #tpu.memory_space<vmem>>, vector<16xf32>,
    %swap3A_703 = vector.shape_cast %swap3A_702 : vector<16xf32> to vector<16xf32>
    %swap3A_704 = vector.shape_cast %div3A_700 : vector<16xf32> to vector<16xf32>
    tpu.vector_store %arg8[%swap3A_701], %swap3A_704 {strides = array<i32>} : memref<128xf32, #tpu.memory_space<vmem>>, vector<16xf32>,
    %add3A_705 = arith.constant 384 : i32
    %add3A_706 = arith.addi %mul3A_2, %add3A_705 : i32
    "tpu.region"() ({
      %run_scoped3A = tpu.sem_alloc : memref<!tpu.dma_semaphore, #tpu.memory_space<semaphore_mem>>
      %dma_start3A_707 = tpu.memref_slice %arg4[%add3A_706] : memref<16384xf32, #tpu.memory_space<hbm>> -> memref<128xf32, #tpu.memory_space<hbm>>
      %dma_start3A_708 = tpu.memref_slice %arg4[%add3A_706] : memref<16384xf32, #tpu.memory_space<hbm>> -> memref<128xf32, #tpu.memory_space<hbm>>
      tpu.enqueue_dma source(%arg8 : memref<128xf32, #tpu.memory_space<vmem>>) target(%dma_start3A_708 : memref<128xf32, #tpu.memory_space<hbm>>) target_semaphore(%run_scoped3A : memref<!tpu.dma_semaphore, #tpu.memory_space<semaphore_mem>>)
      %dma_wait3A_709 = tpu.memref_slice %arg4[%add3A_706] : memref<16384xf32, #tpu.memory_space<hbm>> -> memref<128xf32, #tpu.memory_space<hbm>>
      %dma_wait3A_710 = tpu.memref_slice %arg4[%add3A_706] : memref<16384xf32, #tpu.memory_space<hbm>> -> memref<128xf32, #tpu.memory_space<hbm>>
      tpu.wait_dma2 semaphore(%run_scoped3A : memref<!tpu.dma_semaphore, #tpu.memory_space<semaphore_mem>>) src(%arg8 : memref<128xf32, #tpu.memory_space<vmem>>) dst(%dma_wait3A_710 : memref<128xf32, #tpu.memory_space<hbm>>)
      tpu.yield
    }) : () -> ()
    return
  }
}

module attributes {stable_mosaic.version = 14 : i64} {
  func.func @_tbuild_body(%arg0: i32, %arg1: memref<1024x128xf32, #tpu.memory_space<vmem>>, %arg2: memref<128x8xf32, #tpu.memory_space<vmem>>, %arg3: memref<1x1xf32, #tpu.memory_space<smem>>, %arg4: memref<1024x8xf32, #tpu.memory_space<vmem>>) attributes {dimension_semantics = [#tpu.dimension_semantics<arbitrary>], iteration_bounds = array<i64: 123>, scalar_prefetch = 0 : i64, scratch_operands = 0 : i64, tpu.core_type = #tpu.core_type<tc>, window_params = [{transform_indices = @transform_0, window_bounds = array<i64: 1024, 128>}, {pipeline_mode = #tpu.pipeline_mode<synchronous>, transform_indices = @transform_1, window_bounds = array<i64: 128, 8>}, {transform_indices = @transform_2, window_bounds = array<i64: 1, 1>}, {transform_indices = @transform_3, window_bounds = array<i64: 1024, 8>}]} {
    %get3A = arith.constant 0 : index
    %get3A_0 = arith.constant 0 : index
    %get3A_1 = vector.load %arg1[%get3A, %get3A_0] : memref<1024x128xf32, #tpu.memory_space<vmem>>, vector<1024x128xf32>
    %get3A_2 = arith.constant 0 : index
    %get3A_3 = arith.constant 0 : index
    %get3A_4 = vector.load %arg2[%get3A_2, %get3A_3] : memref<128x8xf32, #tpu.memory_space<vmem>>, vector<128x8xf32>
    %dot_general3A = arith.constant dense<0.000000e+00> : vector<1024x8xf32>
    %dot_general3A_5 = tpu.matmul %get3A_1, %get3A_4, %dot_general3A {dimension_numbers = #tpu.dot_dimension_numbers<[1], [0], [0], [1], [0, 0, 1, 1], [], []>, transpose_lhs_hint = false} : vector<1024x128xf32>, vector<128x8xf32>, vector<1024x8xf32> -> vector<1024x8xf32>
    %get3A_6 = arith.constant 0 : index
    %get3A_7 = arith.constant 0 : index
    %get3A_8 = memref.load %arg3[%get3A_6, %get3A_7] : memref<1x1xf32, #tpu.memory_space<smem>>
    %add3A = vector.broadcast %get3A_8 : f32 to vector<1024x8xf32>
    %add3A_9 = arith.addf %dot_general3A_5, %add3A : vector<1024x8xf32>
    %eq3A = arith.constant 0 : i32
    %eq3A_10 = arith.cmpi eq, %arg0, %eq3A : i32
    %convert_element_type3A = arith.extui %eq3A_10 : i1 to i32
    %cond3A = arith.constant 0 : i32
    %cond3A_11 = arith.cmpi ne, %convert_element_type3A, %cond3A : i32
    scf.if %cond3A_11 {
      %iota3A = tpu.iota {dimensions = array<i32: 0>} : vector<1024x8xi32>
      %iota3A_16 = tpu.iota {dimensions = array<i32: 1>} : vector<1024x8xi32>
      %eq3A_17 = arith.constant 0 : i32
      %eq3A_18 = vector.broadcast %eq3A_17 : i32 to vector<1024x8xi32>
      %eq3A_19 = arith.cmpi eq, %iota3A, %eq3A_18 : vector<1024x8xi32>
      %eq3A_20 = arith.constant 0 : i32
      %eq3A_21 = vector.broadcast %eq3A_20 : i32 to vector<1024x8xi32>
      %eq3A_22 = arith.cmpi eq, %iota3A_16, %eq3A_21 : vector<1024x8xi32>
      %and3A = arith.andi %eq3A_19, %eq3A_22 : vector<1024x8xi1>
      %get3A_23 = arith.constant 0 : index
      %get3A_24 = arith.constant 0 : index
      %get3A_25 = memref.load %arg3[%get3A_23, %get3A_24] : memref<1x1xf32, #tpu.memory_space<smem>>
      %broadcast_in_dim3A = vector.broadcast %get3A_25 : f32 to vector<1024x8xf32>
      %select_n3A = arith.select %and3A, %broadcast_in_dim3A, %add3A_9 : vector<1024x8xi1>, vector<1024x8xf32>
      %swap3A = arith.constant 0 : index
      %swap3A_26 = arith.constant 0 : index
      %swap3A_27 = vector.load %arg4[%swap3A, %swap3A_26] : memref<1024x8xf32, #tpu.memory_space<vmem>>, vector<1024x8xf32>
      tpu.vector_store %arg4[%swap3A, %swap3A_26], %select_n3A {strides = array<i32>} : memref<1024x8xf32, #tpu.memory_space<vmem>>, vector<1024x8xf32>,
    } else {
    }
    %ne3A = arith.constant 0 : i32
    %ne3A_12 = arith.cmpi ne, %arg0, %ne3A : i32
    %convert_element_type3A_13 = arith.extui %ne3A_12 : i1 to i32
    %cond3A_14 = arith.constant 0 : i32
    %cond3A_15 = arith.cmpi ne, %convert_element_type3A_13, %cond3A_14 : i32
    scf.if %cond3A_15 {
      %swap3A = arith.constant 0 : index
      %swap3A_16 = arith.constant 0 : index
      %swap3A_17 = vector.load %arg4[%swap3A, %swap3A_16] : memref<1024x8xf32, #tpu.memory_space<vmem>>, vector<1024x8xf32>
      tpu.vector_store %arg4[%swap3A, %swap3A_16], %add3A_9 {strides = array<i32>} : memref<1024x8xf32, #tpu.memory_space<vmem>>, vector<1024x8xf32>,
    } else {
    }
    return
  }
  func.func @transform_0(%arg0: i32) -> (i32, i32) {
    %c0_i32 = arith.constant 0 : i32
    %c0_i32_0 = arith.constant 0 : i32
    return %arg0, %c0_i32 : i32, i32
  }
  func.func @transform_1(%arg0: i32) -> (i32, i32) {
    %c0_i32 = arith.constant 0 : i32
    %c0_i32_0 = arith.constant 0 : i32
    %c0_i32_1 = arith.constant 0 : i32
    return %c0_i32, %c0_i32_0 : i32, i32
  }
  func.func @transform_2(%arg0: i32) -> (i32, i32) {
    %c0_i32 = arith.constant 0 : i32
    %c0_i32_0 = arith.constant 0 : i32
    %c0_i32_1 = arith.constant 0 : i32
    return %c0_i32, %c0_i32_0 : i32, i32
  }
  func.func @transform_3(%arg0: i32) -> (i32, i32) {
    %c0_i32 = arith.constant 0 : i32
    %c0_i32_0 = arith.constant 0 : i32
    return %arg0, %c0_i32 : i32, i32
  }
}

module attributes {stable_mosaic.version = 14 : i64} {
  func.func @_relayout_body(%arg0: i32, %arg1: memref<200x1024xi32, #tpu.memory_space<vmem>>, %arg2: memref<1600x128xi32, #tpu.memory_space<vmem>>) attributes {dimension_semantics = [#tpu.dimension_semantics<arbitrary>], iteration_bounds = array<i64: 16>, scalar_prefetch = 0 : i64, scratch_operands = 0 : i64, tpu.core_type = #tpu.core_type<tc>, window_params = [{transform_indices = @transform_0, window_bounds = array<i64: 200, 1024>}, {transform_indices = @transform_1, window_bounds = array<i64: 1600, 128>}]} {
    %get3A = arith.constant 0 : index
    %get3A_0 = arith.constant 0 : index
    %get3A_1 = vector.load %arg1[%get3A, %get3A_0] : memref<200x1024xi32, #tpu.memory_space<vmem>>, vector<200x128xi32>
    %swap3A = arith.constant 0 : index
    %swap3A_2 = arith.constant 0 : index
    %swap3A_3 = vector.load %arg2[%swap3A, %swap3A_2] : memref<1600x128xi32, #tpu.memory_space<vmem>>, vector<200x128xi32>
    tpu.vector_store %arg2[%swap3A, %swap3A_2], %get3A_1 {strides = array<i32>} : memref<1600x128xi32, #tpu.memory_space<vmem>>, vector<200x128xi32>,
    %get3A_4 = arith.constant 0 : index
    %get3A_5 = arith.constant 128 : index
    %get3A_6 = vector.load %arg1[%get3A_4, %get3A_5] : memref<200x1024xi32, #tpu.memory_space<vmem>>, vector<200x128xi32>
    %swap3A_7 = arith.constant 200 : index
    %swap3A_8 = arith.constant 0 : index
    %swap3A_9 = vector.load %arg2[%swap3A_7, %swap3A_8] : memref<1600x128xi32, #tpu.memory_space<vmem>>, vector<200x128xi32>
    tpu.vector_store %arg2[%swap3A_7, %swap3A_8], %get3A_6 {strides = array<i32>} : memref<1600x128xi32, #tpu.memory_space<vmem>>, vector<200x128xi32>,
    %get3A_10 = arith.constant 0 : index
    %get3A_11 = arith.constant 256 : index
    %get3A_12 = vector.load %arg1[%get3A_10, %get3A_11] : memref<200x1024xi32, #tpu.memory_space<vmem>>, vector<200x128xi32>
    %swap3A_13 = arith.constant 400 : index
    %swap3A_14 = arith.constant 0 : index
    %swap3A_15 = vector.load %arg2[%swap3A_13, %swap3A_14] : memref<1600x128xi32, #tpu.memory_space<vmem>>, vector<200x128xi32>
    tpu.vector_store %arg2[%swap3A_13, %swap3A_14], %get3A_12 {strides = array<i32>} : memref<1600x128xi32, #tpu.memory_space<vmem>>, vector<200x128xi32>,
    %get3A_16 = arith.constant 0 : index
    %get3A_17 = arith.constant 384 : index
    %get3A_18 = vector.load %arg1[%get3A_16, %get3A_17] : memref<200x1024xi32, #tpu.memory_space<vmem>>, vector<200x128xi32>
    %swap3A_19 = arith.constant 600 : index
    %swap3A_20 = arith.constant 0 : index
    %swap3A_21 = vector.load %arg2[%swap3A_19, %swap3A_20] : memref<1600x128xi32, #tpu.memory_space<vmem>>, vector<200x128xi32>
    tpu.vector_store %arg2[%swap3A_19, %swap3A_20], %get3A_18 {strides = array<i32>} : memref<1600x128xi32, #tpu.memory_space<vmem>>, vector<200x128xi32>,
    %get3A_22 = arith.constant 0 : index
    %get3A_23 = arith.constant 512 : index
    %get3A_24 = vector.load %arg1[%get3A_22, %get3A_23] : memref<200x1024xi32, #tpu.memory_space<vmem>>, vector<200x128xi32>
    %swap3A_25 = arith.constant 800 : index
    %swap3A_26 = arith.constant 0 : index
    %swap3A_27 = vector.load %arg2[%swap3A_25, %swap3A_26] : memref<1600x128xi32, #tpu.memory_space<vmem>>, vector<200x128xi32>
    tpu.vector_store %arg2[%swap3A_25, %swap3A_26], %get3A_24 {strides = array<i32>} : memref<1600x128xi32, #tpu.memory_space<vmem>>, vector<200x128xi32>,
    %get3A_28 = arith.constant 0 : index
    %get3A_29 = arith.constant 640 : index
    %get3A_30 = vector.load %arg1[%get3A_28, %get3A_29] : memref<200x1024xi32, #tpu.memory_space<vmem>>, vector<200x128xi32>
    %swap3A_31 = arith.constant 1000 : index
    %swap3A_32 = arith.constant 0 : index
    %swap3A_33 = vector.load %arg2[%swap3A_31, %swap3A_32] : memref<1600x128xi32, #tpu.memory_space<vmem>>, vector<200x128xi32>
    tpu.vector_store %arg2[%swap3A_31, %swap3A_32], %get3A_30 {strides = array<i32>} : memref<1600x128xi32, #tpu.memory_space<vmem>>, vector<200x128xi32>,
    %get3A_34 = arith.constant 0 : index
    %get3A_35 = arith.constant 768 : index
    %get3A_36 = vector.load %arg1[%get3A_34, %get3A_35] : memref<200x1024xi32, #tpu.memory_space<vmem>>, vector<200x128xi32>
    %swap3A_37 = arith.constant 1200 : index
    %swap3A_38 = arith.constant 0 : index
    %swap3A_39 = vector.load %arg2[%swap3A_37, %swap3A_38] : memref<1600x128xi32, #tpu.memory_space<vmem>>, vector<200x128xi32>
    tpu.vector_store %arg2[%swap3A_37, %swap3A_38], %get3A_36 {strides = array<i32>} : memref<1600x128xi32, #tpu.memory_space<vmem>>, vector<200x128xi32>,
    %get3A_40 = arith.constant 0 : index
    %get3A_41 = arith.constant 896 : index
    %get3A_42 = vector.load %arg1[%get3A_40, %get3A_41] : memref<200x1024xi32, #tpu.memory_space<vmem>>, vector<200x128xi32>
    %swap3A_43 = arith.constant 1400 : index
    %swap3A_44 = arith.constant 0 : index
    %swap3A_45 = vector.load %arg2[%swap3A_43, %swap3A_44] : memref<1600x128xi32, #tpu.memory_space<vmem>>, vector<200x128xi32>
    tpu.vector_store %arg2[%swap3A_43, %swap3A_44], %get3A_42 {strides = array<i32>} : memref<1600x128xi32, #tpu.memory_space<vmem>>, vector<200x128xi32>,
    return
  }
  func.func @transform_0(%arg0: i32) -> (i32, i32) {
    %c0_i32 = arith.constant 0 : i32
    %c0_i32_0 = arith.constant 0 : i32
    return %c0_i32, %arg0 : i32, i32
  }
  func.func @transform_1(%arg0: i32) -> (i32, i32) {
    %c0_i32 = arith.constant 0 : i32
    %c0_i32_0 = arith.constant 0 : i32
    return %arg0, %c0_i32 : i32, i32
  }
}

</mosaic_0001>

<sc_bundles>
// kernel: kernel.5.cloned.1.call-start
scs
__scs_entry_jumppad:
0x0: {  	(pc) =	sbr.rel $0x88, $3  }
0x1: {  	(tag) =	ssettag $0x0;
	lr =	simm.s32 $0x1  }
0x2: {  	[smem:$0x3F9D] =	sst lr;
	_ =	strace $0xD0000000  }
0x3: {  	_ = 	snop  }
0x4: {  	_ = 	snop  }
0x5: {  	_ = 	snop  }
0x6: {  	_ = 	snop  }
0x7: {  	_ = 	snop  }
__scs_overlays_trampoline_lowered:
0x8: {  	[smem:$0x3FAC] =	sst s0  }
0x9: {  	[smem:$0x3FAD] =	sst s1  }
0xa: {  	[smem:$0x3FAE] =	sst s2  }
0xb: {  	[smem:$0x3FAF] =	sst s3  }
0xc: {  	[smem:$0x3FB0] =	sst s4  }
0xd: {  	[smem:$0x3FB1] =	sst s5  }
0xe: {  	[smem:$0x3FB2] =	sst s6  }
0xf: {  	[smem:$0x3FB3] =	sst s7  }
0x10: {  	[smem:$0x3FB4] =	sst s8  }
0x11: {  	[smem:$0x3FB5] =	sst s9;
	s0 =	simm.s32 @!p0 $0x0  }
0x12: {  	s1 =	sld [smem:$0x3F9B];
	s0 =	simm.s32 @p0 $0x1  }
0x13: {  	[smem:$0x3FB6] =	sst s0;
	s0 =	simm.s32 @!p1 $0x0  }
0x14: {  	s2 =	sld [smem:$0x3F9A];
	s0 =	simm.s32 @p1 $0x1  }
0x15: {  	[smem:$0x3FB7] =	sst s0;
	s0 =	simm.s32 @!p2 $0x0  }
0x16: {  	s3 =	sld [smem:$0x3FDB];
	s0 =	simm.s32 @p2 $0x1  }
0x17: {  	s4 =	simm.s32 $0x1BF5;
	[smem:$0x3FB9] =	sst s0  }
0x18: {  	s0 =	sld [smem:$0x3F9C];
	_ =	swait.ge [sflag:s4], $0x0  }
0x19: {  	s7 =	sld [smem:$0x3F9D]  }
0x1a: {  	s8 =	sadd.s32 $0xFFFFE003, lr  }
0x1b: {  	s9 =	sadd.s32 $0xFFFFFEF7, lr;
	s5 =	simm.s32 $0xFFFFFFFF;
	p2 =	slt.u32 s8, $0xFFFFF086  }
0x1c: {  	p1 =	slt.u32 s9, $0xF7A;
	s5 =	simm.s32 @!p2 $0x0  }
0x1d: {  	s5 =	simm.s32 @p1 $0x1;
	p0 =	seq.s32 s7, s2  }
0x1e: {  	s7 =	smul.u32 @!p0 $0xF7A, s2;
	p2 =	seq.s32 @!p0 s5, $0x0  }
0x1f: {  	s9 =	smul.u32 $0xF7A, s1;
	s8 =	simm.s32 @!p0 $0x1BF5;
	p2 =	por !p2, p0  }
0x20: {  	[sflag:s8] =	ssyncset.s32 @!p0 $0xFFFFF086;
	s6 =	sadd.s32 @!p0 s3, s7;
	s7 =	simm.s32 @!p0 $0x108  }
0x21: {  	s3 =	sadd.s32 s3, s9;
	s6 =	sadd.s32 @!p0 $0x88, s6;
	s7 =	simm.s32 @p2 $0x1082  }
0x22: {  	[simem:s7], [sflag:s8] =	dma.local @!p0 [hbm:s6], $0xF7A  }
0x23: {  	s9 =	sor.u32 $0xD0000000, s2;
	s6 =	simm.s32 $0x108;
	_ =	swait.ge @!p0 [sflag:s8], $0x0  }
0x24: {  	s3 =	sadd.s32 $0x88, s3;
	s6 =	simm.s32 @!p1 $0x1082;
	[sflag:s4] =	ssyncset.s32 $0xFFFFF086  }
0x25: {  	[simem:s6], [sflag:s4] =	dma.local [hbm:s3], $0xF7A  }
0x26: {  	[smem:$0x3F9D] =	sst s1;
	(tag) =	ssettag s2;
	_ =	strace s9  }
0x27: {  	s1 =	sld [smem:$0x3FAD]  }
0x28: {  	s2 =	sld [smem:$0x3FAE]  }
0x29: {  	s4 =	sld [smem:$0x3FB0]  }
0x2a: {  	p0 =	seq.s32 s5, $0x0;
	s5 =	sld [smem:$0x3FB1]  }
0x2b: {  	s6 =	sld [smem:$0x3FB2]  }
0x2c: {  	s7 =	sld [smem:$0x3FB3]  }
0x2d: {  	s3 =	simm.s32 $0x108;
	s8 =	sld [smem:$0x3FB4]  }
0x2e: {  	s3 =	simm.s32 @!p0 $0x1082;
	s9 =	sld [smem:$0x3FB5]  }
0x2f: {  	lr =	sadd.s32 s0, s3;
	s0 =	sld [smem:$0x3FAC]  }
0x30: {  	s3 =	sld [smem:$0x3FAF]  }
0x31: {  	[smem:$0x3FB8] =	sst s10  }
0x32: {  	s10 =	sld [smem:$0x3FB6];
	_ =	sdelay $0x3  }
0x33: {  	p0 =	seq.s32 s10, $0x1;
	s10 =	sld [smem:$0x3FB8];
	_ =	sdelay $0x3  }
0x34: {  	[smem:$0x3FB8] =	sst s10  }
0x35: {  	s10 =	sld [smem:$0x3FB7];
	_ =	sdelay $0x3  }
0x36: {  	p1 =	seq.s32 s10, $0x1;
	s10 =	sld [smem:$0x3FB8];
	_ =	sdelay $0x3  }
0x37: {  	[smem:$0x3FB8] =	sst s10  }
0x38: {  	s10 =	sld [smem:$0x3FB9]  }
0x39: {  	_ = 	snop;
	(pc) =	sbr.ind lr, $3  }
0x3a: {  	_ = 	snop  }
0x3b: {  	_ = 	snop  }
0x3c: {  	p2 =	seq.s32 s10, $0x1;
	s10 =	sld [smem:$0x3FB8]  }
0x3d: {  	_ =	shalt  }
0x3e: {  	_ =	shalt  }
0x3f: {  	_ =	shalt  }
0x40: {  	_ =	shalt  }
0x41: {  	_ =	shalt  }
0x42: {  	_ =	shalt  }
0x43: {  	_ =	shalt  }
0x44: {  	_ =	shalt  }
0x45: {  	_ =	shalt  }
0x46: {  	_ =	shalt  }
0x47: {  	_ =	shalt  }
0x48: {  	_ =	shalt  }
0x49: {  	_ =	shalt  }
0x4a: {  	_ =	shalt  }
0x4b: {  	_ =	shalt  }
0x4c: {  	_ =	shalt  }
0x4d: {  	_ =	shalt  }
0x4e: {  	_ =	shalt  }
0x4f: {  	_ =	shalt  }
0x50: {  	_ =	shalt  }
0x51: {  	_ =	shalt  }
0x52: {  	_ =	shalt  }
0x53: {  	_ =	shalt  }
0x54: {  	_ =	shalt  }
0x55: {  	_ =	shalt  }
0x56: {  	_ =	shalt  }
0x57: {  	_ =	shalt  }
0x58: {  	_ =	shalt  }
0x59: {  	_ =	shalt  }
0x5a: {  	_ =	shalt  }
0x5b: {  	_ =	shalt  }
0x5c: {  	_ =	shalt  }
0x5d: {  	_ =	shalt  }
0x5e: {  	_ =	shalt  }
0x5f: {  	_ =	shalt  }
0x60: {  	_ =	shalt  }
0x61: {  	_ =	shalt  }
0x62: {  	_ =	shalt  }
0x63: {  	_ =	shalt  }
0x64: {  	_ =	shalt  }
0x65: {  	_ =	shalt  }
0x66: {  	_ =	shalt  }
0x67: {  	_ =	shalt  }
0x68: {  	_ =	shalt  }
0x69: {  	_ =	shalt  }
0x6a: {  	_ =	shalt  }
0x6b: {  	_ =	shalt  }
0x6c: {  	_ =	shalt  }
0x6d: {  	_ =	shalt  }
0x6e: {  	_ =	shalt  }
0x6f: {  	_ =	shalt  }
0x70: {  	_ =	shalt  }
0x71: {  	_ =	shalt  }
0x72: {  	_ =	shalt  }
0x73: {  	_ =	shalt  }
0x74: {  	_ =	shalt  }
0x75: {  	_ =	shalt  }
0x76: {  	_ =	shalt  }
0x77: {  	_ =	shalt  }
0x78: {  	_ =	shalt  }
0x79: {  	_ =	shalt  }
0x7a: {  	_ =	shalt  }
0x7b: {  	_ =	shalt  }
0x7c: {  	_ =	shalt  }
0x7d: {  	_ =	shalt  }
0x7e: {  	_ =	shalt  }
0x7f: {  	_ =	shalt  }
0x80: {  	_ =	shalt  }
0x81: {  	_ =	shalt  }
0x82: {  	_ =	shalt  }
0x83: {  	_ =	shalt  }
0x84: {  	_ =	shalt  }
0x85: {  	_ =	shalt  }
0x86: {  	_ =	shalt  }
0x87: {  	_ =	shalt  }
.Lfunc_end0:
.L_simem_size_0:
called_computation_lowered:
.L_overlay_start_0:
0x88: {  	s2 =	sld [smem:$0x3FD9]  }
0x89: {  	s3 =	sld [smem:$0x3FFE];
	_ =	sdelay $0x1  }
0x8a: {  	s1 =	srdreg.scid  }
0x8b: {  	s0 =	sand.u32 $0x1, s1  }
0x8c: {  	s17 =	sshll.u32 s0, $0xA;
	s2 =	sadd.s32 s3, s2  }
0x8d: {  	s2 =	sadd.s32 s2, s17  }
0x8e: {  	[smem:$0x3FC4] =	sst s2  }
0x8f: {  	_ = 	snop  }
0x90: {  	s2 =	sld [smem:$0x3FD0];
	(tm) =	ssettm $0x1  }
0x91: {  	s18 =	sld [smem:$0x3FFB];
	_ =	sdelay $0x3  }
0x92: {  	_ =	strace s18  }
0x93: {  	s3 =	sld [smem:$0x3FFC];
	_ =	sdelay $0x3  }
0x94: {  	_ =	strace s3  }
0x95: {  	s3 =	sld [smem:$0x3FFD];
	_ =	sdelay $0x3  }
0x96: {  	_ =	strace s3  }
0x97: {  	_ =	strace $0x8FFFFFFF  }
0x98: {  	s19 =	sld [smem:$0x3FDB];
	_ =	sdelay $0x1  }
0x99: {  	s4 =	simm.s32 $_scs_section_size  }
0x9a: {  	s5 =	simm.s32 $_size__tile_overlayer_lowered;
	s6 =	simm.s32 $_tile_overlayer_lowered  }
0x9b: {  	s22 =	simm.s32 $0x1BFF;
	s21 =	sshll.u32 s6, $0x1;
	s3 =	sadd.s32 s4, s19  }
0x9c: {  	s7 =	simm.s32 $0x0;
	s20 =	sshll.u32 s5, $0x1;
	s5 =	sadd.s32 s21, s3  }
0x9d: {  	[timem:s7], [sflag:s22] =	dma.local [hbm:s5], s20  }
0x9e: {  	_ =	swait.ge [sflag:s22], s20  }
0x9f: {  	s4 =	ssub.s32 $0x0, s20;
	[sflag:s22] =	ssyncset.done $0x0  }
0xa0: {  	[sflag:s22] =	ssyncadd.s32 s4;
	_ =	sdelay $0x1  }
0xa1: {  	s23 =	simm.s32 $0x1B8B  }
0xa2: {  	_ =	swait.ge [sflag:s23], $0x1  }
0xa3: {  	[sflag:s23] =	ssyncset.done $0x0  }
0xa4: {  	s25 =	simm.s32 $0x1B8E;
	s24 =	sld [smem:$0x3FFE];
	[sflag:s23] =	ssyncadd.s32 $0xFFFFFFFF  }
0xa5: {  	s26 =	simm.s32 $execute0_lowered;
	[smem:$0x3FD2] =	sst s25  }
0xa6: {  	s5 =	sshll.u32 s26, $0x1;
	_ =	strace $0x80000046;
	[dreg:$0x1] =	wrdreg $0xFFFFFFFF  }
0xa7: {  	s28 =	simm.s32 $_size_execute0_lowered;
	s3 =	sadd.s32 s3, s5;
	[dreg:$0x0] =	wrdreg $0x0  }
0xa8: {  	s5 =	sshll.u32 s28, $0x1;
	[dreg:$0x2] =	wrdreg s3  }
0xa9: {  	[dreg:$0x3] =	wrdreg s5  }
0xaa: {  	[dreg:$0x4] =	wrdreg $0xC0  }
0xab: {  	_ =	task [dreg:s7], $0x5FFFF  }
0xac: {  	[dreg:$0x1] =	wrdreg $0xFFFFFFFF  }
0xad: {  	[dreg:$0x0] =	wrdreg $0x60  }
0xae: {  	[dreg:$0x2] =	wrdreg s24  }
0xaf: {  	[dreg:$0x3] =	wrdreg s2  }
0xb0: {  	[dreg:$0x4] =	wrdreg $0x0  }
0xb1: {  	[dreg:$0x5] =	wrdreg $0x9  }
0xb2: {  	_ =	task.clear_ibuf [dreg:s7], $0x6FFFF;
	_ =	strace $0x90000046  }
0xb3: {  	s29 =	simm.s32 $0x9;
	_ =	strace $0x80000048  }
0xb4: {  	_ =	swait.ge [sflag:s29], $0x1  }
0xb5: {  	[sflag:s29] =	ssyncadd.s32 $0xFFFFFFFF  }
0xb6: {  	_ =	strace $0x90000048  }
0xb7: {  	_ =	sfence  }
0xb8: {  	s30 =	sld [smem:$0x0];
	_ =	sdelay $0x2  }
0xb9: {  	s31 =	sshll.u32 s1, $0xD;
	s1 =	sshrl.u32 s1, $0x2  }
0xba: {  	s3 =	sand.u32 $0x4000, s31;
	s1 =	sadd.s32 s1, s30  }
0xbb: {  	s0 =	sor.u32 s3, s0;
	s1 =	sshll.u32 s1, $0x11  }
0xbc: {  	s0 =	sor.u32 s1, s0  }
0xbd: {  	s0 =	sadd.s32 $0x8F2B, s0  }
0xbe: {  	[sflag:s0] =	ssyncadd.remote.s32 $0x1  }
0xbf: {  	_ =	sfence.sel $0xFFFF  }
0xc0: {  	[dreg:$0x0] =	wrdreg $0xFFFFFFFF;
	(pc) =	sbr.abs _section_cstart, $3  }
0xc1: {  	[dreg:$0x1] =	wrdreg $0xFFFFFFFF  }
0xc2: {  	_ =	task.clear_ibuf [dreg:s7], $0x2FFFF;
	_ =	strace $0x9FFFFFFF  }
0xc3: {  	(tm) =	ssettm $0x7FFFFFFF  }
tec
execute0_lowered:
.L_overlay_start_1:
0x0: {  	(tag) =	ssettag $0x1  }
0x1: {  	s4 =	rddreg [dreg:$0x0]  }
0x2: {  	s8 =	rddreg [dreg:$0x1]  }
0x3: {  	s2 =	rddreg [dreg:$0x2]  }
0x4: {  	s0 =	rddreg [dreg:$0x3];
	s3 =	simm.s32 $0x0  }
0x5: {  	s1 =	stileid.u32;
	s6 =	srdreg.scid;
	s16 =	simm.s32 $0xF600  }
0x6: {  	s17 =	simm.s32 $0x1;
	s18 =	simm.s32 $0x2;
	s19 =	simm.s32 $0x6400  }
0x7: {  	s20 =	simm.s32 $0x15A00;
	s21 =	simm.s32 $0x3;
	s22 =	simm.s32 $0x1BE00  }
0x8: {  	s23 =	simm.s32 $0x4;
	s24 =	simm.s32 $0x0;
	[smem:$0x7FF] =	sst s3  }
0x9: {  	s5 =	smul.u32 $0xF600, s1;
	s6 =	sand.u32 $0x1, s6;
	s10 =	sshll.u32 s1, $0x1  }
0xa: {  	s12 =	sadd.s32 $0xA00, s4;
	s26 =	sshll.u32 s1, $0x6;
	_ =	strace $0x80000047  }
0xb: {  	s9 =	ssub.s32 $0x2, s6;
	s10 =	sor.u32 s6, s10;
	s7 =	sshrl.u32 s5, $0x3  }
0xc: {  	s11 =	sshrl.u32 s9, $0x1;
	s6 =	smul.u32 $0x19000, s10;
	s15 =	sadd.s32 s5, s2  }
0xd: {  	s28 =	smul.u32 $0x3200, s10;
	s5 =	sor.u32 $0x1C01, s26;
	s31 =	sshll.u32 s10, $0x6  }
0xe: {  	s7 =	sadd.s32 s7, s4;
	s14 =	ssub.s32 s9, s11;
	s8 =	sadd.s32 s8, s31  }
0xf: {  	s15 =	sshrl.u32 s15, $0x3;
	s4 =	sadd.s32 $0x1ECA00, s7;
	s29 =	sshrl.u32 s6, $0x3  }
0x10: {  	s6 =	sadd.s32 s12, s28;
	s10 =	sadd.s32 $0x10, s8;
	s13 =	sadd.s32 $0x30, s8  }
0x11: {  	s14 =	smax.u32 s14, $0x1;
	s30 =	sadd.s32 s12, s29;
	s12 =	sadd.s32 $0x20, s8  }
0x12: {  	s7 =	sadd.s32 $0xC80, s30;
	s9 =	sadd.s32 $0x1900, s30;
	s11 =	sadd.s32 $0x2580, s30  }
.LBB2_1:
0x13: {  	[spmem:s15], [sflag:s5] =	dma.local [hbm:s4], $0x1EC0  }
0x14: {  	[tilespmem:s16], [sflag:$0x2] =	stream.linear.gather [hbm4b:s6+s3], $0x6400, $0x38;
	[tilespmem:$0x1BE80] =	vst v63  }
0x15: {  	_ =	swait.ge [sflag:s17], $0x1EC0  }
0x16: {  	[sflag:s17] =	ssyncset.done $0x0  }
0x17: {  	[sflag:s17] =	ssyncadd.s32 $0xFFFFE140  }
0x18: {  	[bflag:$0x0] =	sbarrier.arrive $0xFFFF  }
0x19: {  	_ =	swait.ge [sflag:s18], $0x6400  }
0x1a: {  	[sflag:s18] =	ssyncset.done $0x0  }
0x1b: {  	[sflag:s18] =	ssyncadd.s32 $0xFFFF9C00  }
0x1c: {  	[tilespmem:s20], [sflag:$0x3] =	stream.indirect.gather [spmem:s2], $0x1, s16, s19, $0xb8;
	[tilespmem:$0x1BE80] =	vst v63  }
0x1d: {  	_ =	swait.ge [sflag:s21], $0x6400  }
0x1e: {  	[sflag:s21] =	ssyncset.done $0x0  }
0x1f: {  	s28 =	simm.s32 $0x0;
	[sflag:s21] =	ssyncadd.s32 $0xFFFF9C00  }
0x20: {  	[tilespmem:s16], [sflag:$0x2] =	stream.linear.gather [hbm4b:s7+s3], $0x6400, $0x38;
	[tilespmem:$0x1BE80] =	vst v63  }
0x21: {  	v0 =	vld [tilespmem:s28+$0x15A70]  }
0x22: {  	v1 =	vld [tilespmem:s28+$0x15A00]  }
0x23: {  	v2 =	vld [tilespmem:s28+$0x15A10]  }
0x24: {  	v10 =	vld [tilespmem:s28+$0x15A20]  }
0x25: {  	v8 =	vld [tilespmem:s28+$0x15A30]  }
0x26: {  	v9 =	vimm.f32 $0.0e+00;
	v7 =	vimm.f32 $0.0e+00;
	v5 =	vld [tilespmem:s28+$0x15A40]  }
0x27: {  	v6 =	vimm.f32 $0.0e+00;
	v3 =	vimm.f32 $0.0e+00;
	v4 =	vld [tilespmem:s28+$0x15A50];
	v0 =	vadd.f32 v0, v9  }
0x28: {  	s25 =	simm.s32 $0x80;
	s26 =	simm.s32 $0x400;
	v12 =	vadd.f32 v1, v9;
	v11 =	vadd.f32 v2, v9;
	v2 =	vld [tilespmem:s28+$0x15A60];
	v1 =	vimm.f32 $0.0e+00  }
.LBB2_2:
0x29: {  	p0 =	sne.s32 s26, $0x18E00;
	v13 =	vld [tilespmem:s25+$0x15A70];
	v9 =	vadd.f32 v10, v9  }
0x2a: {  	v14 =	vld [tilespmem:s25+$0x15A00];
	v7 =	vadd.f32 v8, v7  }
0x2b: {  	v15 =	vld [tilespmem:s25+$0x15A10];
	v6 =	vadd.f32 v5, v6  }
.Ltmp0:
0x2c: {  	v10 =	vld [tilespmem:s25+$0x15A20];
	v3 =	vadd.f32 v4, v3;
	(pc) =	sbr.rel @p0 .LBB2_2-.Ltmp0, $4  }
0x2d: {  	v8 =	vld [tilespmem:s25+$0x15A30];
	v1 =	vadd.f32 v2, v1  }
0x2e: {  	v5 =	vld [tilespmem:s25+$0x15A40];
	v0 =	vadd.f32 v13, v0  }
0x2f: {  	v12 =	vadd.f32 v14, v12;
	v4 =	vld [tilespmem:s25+$0x15A50]  }
0x30: {  	v11 =	vadd.f32 v15, v11;
	v2 =	vld [tilespmem:s25+$0x15A60];
	s25 =	sshra.s32 s26, $0x2;
	s26 =	sadd.s32 $0x200, s26  }
0x31: {  	v13 =	vld [tilespmem:s25+$0x15A00];
	_ =	sdelay $0x4  }
0x32: {  	v12 =	vadd.f32 v13, v12;
	_ =	sdelay $0x1  }
0x33: {  	v12 =	vmul.f32 $4.999999890e-03, v12;
	_ =	sdelay $0x1  }
0x34: {  	v12 =	vsub.f32 $0.0e+00, v12;
	_ =	sdelay $0x1  }
0x35: {  	v12 =	vmul.f32 $1.442695020e+00, v12;
	_ =	sdelay $0x1  }
0x36: {  	v13 =	vld [tilespmem:s25+$0x15A10];
	(erf) = vpow2.f32 v12;
	_ =	sdelay $0x4  }
0x37: {  	v11 =	vadd.f32 v13, v11;
	_ =	sdelay $0x1  }
0x38: {  	v11 =	vmul.f32 $4.999999890e-03, v11;
	_ =	sdelay $0x1  }
0x39: {  	v11 =	vsub.f32 $0.0e+00, v11;
	v12 =	vpop (erf)  }
0x3a: {  	v12 =	vadd.f32 $1.000000000e+00, v12  }
0x3b: {  	v11 =	vmul.f32 $1.442695020e+00, v11  }
0x3c: {  	(erf) = vrcp.f32 v12  }
0x3d: {  	v12 =	vld [tilespmem:s25+$0x15A20];
	(erf) = vpow2.f32 v11;
	_ =	sdelay $0x2  }
0x3e: {  	v9 =	vadd.f32 v10, v9;
	_ =	sdelay $0x1  }
0x3f: {  	v9 =	vadd.f32 v12, v9;
	_ =	sdelay $0x1  }
0x40: {  	v9 =	vmul.f32 $4.999999890e-03, v9  }
0x41: {  	v10 =	vpop (erf)  }
0x42: {  	v9 =	vsub.f32 $0.0e+00, v9;
	v11 =	vpop (erf)  }
0x43: {  	v11 =	vadd.f32 $1.000000000e+00, v11  }
0x44: {  	v9 =	vmul.f32 $1.442695020e+00, v9  }
0x45: {  	(erf) = vrcp.f32 v11  }
0x46: {  	v11 =	vld [tilespmem:s25+$0x15A30];
	(erf) = vpow2.f32 v9;
	_ =	sdelay $0x2  }
0x47: {  	v7 =	vadd.f32 v8, v7;
	_ =	sdelay $0x1  }
0x48: {  	v7 =	vadd.f32 v11, v7;
	_ =	sdelay $0x1  }
0x49: {  	v7 =	vmul.f32 $4.999999890e-03, v7  }
0x4a: {  	v8 =	vpop (erf)  }
0x4b: {  	v7 =	vsub.f32 $0.0e+00, v7;
	v9 =	vpop (erf)  }
0x4c: {  	v9 =	vadd.f32 $1.000000000e+00, v9  }
0x4d: {  	v7 =	vmul.f32 $1.442695020e+00, v7  }
0x4e: {  	(erf) = vrcp.f32 v9  }
0x4f: {  	v9 =	vld [tilespmem:s25+$0x15A40];
	(erf) = vpow2.f32 v7;
	_ =	sdelay $0x2  }
0x50: {  	v5 =	vadd.f32 v5, v6;
	_ =	sdelay $0x1  }
0x51: {  	v5 =	vadd.f32 v9, v5;
	_ =	sdelay $0x1  }
0x52: {  	v5 =	vmul.f32 $4.999999890e-03, v5  }
0x53: {  	v6 =	vpop (erf)  }
0x54: {  	v5 =	vsub.f32 $0.0e+00, v5;
	v7 =	vpop (erf)  }
0x55: {  	v7 =	vadd.f32 $1.000000000e+00, v7  }
0x56: {  	v5 =	vmul.f32 $1.442695020e+00, v5  }
0x57: {  	(erf) = vrcp.f32 v7  }
0x58: {  	v7 =	vld [tilespmem:s25+$0x15A50];
	(erf) = vpow2.f32 v5;
	_ =	sdelay $0x2  }
0x59: {  	v3 =	vadd.f32 v4, v3;
	_ =	sdelay $0x1  }
0x5a: {  	v3 =	vadd.f32 v7, v3;
	_ =	sdelay $0x1  }
0x5b: {  	v3 =	vmul.f32 $4.999999890e-03, v3  }
0x5c: {  	v4 =	vpop (erf)  }
0x5d: {  	v3 =	vsub.f32 $0.0e+00, v3;
	v5 =	vpop (erf)  }
0x5e: {  	v5 =	vadd.f32 $1.000000000e+00, v5  }
0x5f: {  	v3 =	vmul.f32 $1.442695020e+00, v3  }
0x60: {  	(erf) = vrcp.f32 v5  }
0x61: {  	v5 =	vld [tilespmem:s25+$0x15A60];
	(erf) = vpow2.f32 v3;
	_ =	sdelay $0x2  }
0x62: {  	v1 =	vadd.f32 v2, v1;
	_ =	sdelay $0x1  }
0x63: {  	v1 =	vadd.f32 v5, v1;
	_ =	sdelay $0x1  }
0x64: {  	v1 =	vmul.f32 $4.999999890e-03, v1  }
0x65: {  	v2 =	vpop (erf)  }
0x66: {  	v1 =	vsub.f32 $0.0e+00, v1;
	v3 =	vpop (erf)  }
0x67: {  	v3 =	vadd.f32 $1.000000000e+00, v3  }
0x68: {  	v1 =	vmul.f32 $1.442695020e+00, v1  }
0x69: {  	(erf) = vrcp.f32 v3  }
0x6a: {  	v3 =	vld [tilespmem:s25+$0x15A70];
	(erf) = vpow2.f32 v1;
	_ =	sdelay $0x4  }
0x6b: {  	v0 =	vadd.f32 v3, v0;
	_ =	sdelay $0x1  }
0x6c: {  	v0 =	vmul.f32 $4.999999890e-03, v0  }
0x6d: {  	v1 =	vpop (erf)  }
0x6e: {  	v0 =	vsub.f32 $0.0e+00, v0;
	v3 =	vpop (erf)  }
0x6f: {  	v3 =	vadd.f32 $1.000000000e+00, v3  }
0x70: {  	v0 =	vmul.f32 $1.442695020e+00, v0  }
0x71: {  	(erf) = vrcp.f32 v3  }
0x72: {  	(erf) = vpow2.f32 v0;
	_ =	sdelay $0x7  }
0x73: {  	v0 =	vpop (erf)  }
0x74: {  	v3 =	vpop (erf)  }
0x75: {  	v3 =	vadd.f32 $1.000000000e+00, v3;
	_ =	sdelay $0x1  }
0x76: {  	(erf) = vrcp.f32 v3;
	_ =	sdelay $0x2  }
0x77: {  	[tilespmem:$0x1BE00] =	vst v10  }
0x78: {  	[tilespmem:$0x1BE10] =	vst v8  }
0x79: {  	[tilespmem:$0x1BE20] =	vst v6  }
0x7a: {  	[tilespmem:$0x1BE30] =	vst v4  }
0x7b: {  	[tilespmem:$0x1BE40] =	vst v2  }
0x7c: {  	[tilespmem:$0x1BE50] =	vst v1  }
0x7d: {  	[tilespmem:$0x1BE60] =	vst v0;
	v0 =	vpop (erf)  }
0x7e: {  	s31 =	simm.s32 $0x0;
	[tilespmem:$0x1BE70] =	vst v0  }
0x7f: {  	[hbm4b:s8+s31] =	stream.linear.scatter [tilespmem:s22], [sflag:$0x4], $0x80, $0x38;
	[tilespmem:$0x1BE80] =	vst v63  }
0x80: {  	_ =	swait.ge [sflag:s23], $0x80  }
0x81: {  	[sflag:s23] =	ssyncset.done $0x0  }
0x82: {  	[sflag:s23] =	ssyncadd.s32 $0xFFFFFF80  }
0x83: {  	_ =	swait.ge [sflag:s18], $0x6400  }
0x84: {  	[sflag:s18] =	ssyncset.done $0x0  }
0x85: {  	[sflag:s18] =	ssyncadd.s32 $0xFFFF9C00  }
0x86: {  	[tilespmem:s20], [sflag:$0x3] =	stream.indirect.gather [spmem:s2], $0x1, s16, s19, $0xb8;
	[tilespmem:$0x1BE80] =	vst v63  }
0x87: {  	_ =	swait.ge [sflag:s21], $0x6400  }
0x88: {  	[sflag:s21] =	ssyncset.done $0x0  }
0x89: {  	s28 =	simm.s32 $0x0;
	[sflag:s21] =	ssyncadd.s32 $0xFFFF9C00  }
0x8a: {  	[tilespmem:s16], [sflag:$0x2] =	stream.linear.gather [hbm4b:s9+s31], $0x6400, $0x38;
	[tilespmem:$0x1BE80] =	vst v63  }
0x8b: {  	v0 =	vld [tilespmem:s28+$0x15A70]  }
0x8c: {  	v1 =	vld [tilespmem:s28+$0x15A00]  }
0x8d: {  	v2 =	vld [tilespmem:s28+$0x15A10]  }
0x8e: {  	v10 =	vld [tilespmem:s28+$0x15A20]  }
0x8f: {  	v8 =	vld [tilespmem:s28+$0x15A30]  }
0x90: {  	v9 =	vimm.f32 $0.0e+00;
	v7 =	vimm.f32 $0.0e+00;
	v5 =	vld [tilespmem:s28+$0x15A40]  }
0x91: {  	v6 =	vimm.f32 $0.0e+00;
	v3 =	vimm.f32 $0.0e+00;
	v4 =	vld [tilespmem:s28+$0x15A50];
	v0 =	vadd.f32 v0, v9  }
0x92: {  	s26 =	simm.s32 $0x400;
	s25 =	simm.s32 $0x80;
	v12 =	vadd.f32 v1, v9;
	v11 =	vadd.f32 v2, v9;
	v2 =	vld [tilespmem:s28+$0x15A60];
	v1 =	vimm.f32 $0.0e+00  }
.LBB2_4:
0x93: {  	p0 =	sne.s32 s26, $0x18E00;
	v13 =	vld [tilespmem:s25+$0x15A70];
	v9 =	vadd.f32 v10, v9  }
0x94: {  	v14 =	vld [tilespmem:s25+$0x15A00];
	v7 =	vadd.f32 v8, v7  }
0x95: {  	v15 =	vld [tilespmem:s25+$0x15A10];
	v6 =	vadd.f32 v5, v6  }
.Ltmp1:
0x96: {  	v10 =	vld [tilespmem:s25+$0x15A20];
	v3 =	vadd.f32 v4, v3;
	(pc) =	sbr.rel @p0 .LBB2_4-.Ltmp1, $4  }
0x97: {  	v8 =	vld [tilespmem:s25+$0x15A30];
	v1 =	vadd.f32 v2, v1  }
0x98: {  	v5 =	vld [tilespmem:s25+$0x15A40];
	v0 =	vadd.f32 v13, v0  }
0x99: {  	v12 =	vadd.f32 v14, v12;
	v4 =	vld [tilespmem:s25+$0x15A50]  }
0x9a: {  	v11 =	vadd.f32 v15, v11;
	v2 =	vld [tilespmem:s25+$0x15A60];
	s25 =	sshra.s32 s26, $0x2;
	s26 =	sadd.s32 $0x200, s26  }
0x9b: {  	v13 =	vld [tilespmem:s25+$0x15A00];
	_ =	sdelay $0x4  }
0x9c: {  	v12 =	vadd.f32 v13, v12;
	_ =	sdelay $0x1  }
0x9d: {  	v12 =	vmul.f32 $4.999999890e-03, v12;
	_ =	sdelay $0x1  }
0x9e: {  	v12 =	vsub.f32 $0.0e+00, v12;
	_ =	sdelay $0x1  }
0x9f: {  	v12 =	vmul.f32 $1.442695020e+00, v12;
	_ =	sdelay $0x1  }
0xa0: {  	v13 =	vld [tilespmem:s25+$0x15A10];
	(erf) = vpow2.f32 v12;
	_ =	sdelay $0x4  }
0xa1: {  	v11 =	vadd.f32 v13, v11;
	_ =	sdelay $0x1  }
0xa2: {  	v11 =	vmul.f32 $4.999999890e-03, v11;
	_ =	sdelay $0x1  }
0xa3: {  	v11 =	vsub.f32 $0.0e+00, v11;
	v12 =	vpop (erf)  }
0xa4: {  	v12 =	vadd.f32 $1.000000000e+00, v12  }
0xa5: {  	v11 =	vmul.f32 $1.442695020e+00, v11  }
0xa6: {  	(erf) = vrcp.f32 v12  }
0xa7: {  	v12 =	vld [tilespmem:s25+$0x15A20];
	(erf) = vpow2.f32 v11;
	_ =	sdelay $0x2  }
0xa8: {  	v9 =	vadd.f32 v10, v9;
	_ =	sdelay $0x1  }
0xa9: {  	v9 =	vadd.f32 v12, v9;
	_ =	sdelay $0x1  }
0xaa: {  	v9 =	vmul.f32 $4.999999890e-03, v9  }
0xab: {  	v10 =	vpop (erf)  }
0xac: {  	v9 =	vsub.f32 $0.0e+00, v9;
	v11 =	vpop (erf)  }
0xad: {  	v11 =	vadd.f32 $1.000000000e+00, v11  }
0xae: {  	v9 =	vmul.f32 $1.442695020e+00, v9  }
0xaf: {  	(erf) = vrcp.f32 v11  }
0xb0: {  	v11 =	vld [tilespmem:s25+$0x15A30];
	(erf) = vpow2.f32 v9;
	_ =	sdelay $0x2  }
0xb1: {  	v7 =	vadd.f32 v8, v7;
	_ =	sdelay $0x1  }
0xb2: {  	v7 =	vadd.f32 v11, v7;
	_ =	sdelay $0x1  }
0xb3: {  	v7 =	vmul.f32 $4.999999890e-03, v7  }
0xb4: {  	v8 =	vpop (erf)  }
0xb5: {  	v7 =	vsub.f32 $0.0e+00, v7;
	v9 =	vpop (erf)  }
0xb6: {  	v9 =	vadd.f32 $1.000000000e+00, v9  }
0xb7: {  	v7 =	vmul.f32 $1.442695020e+00, v7  }
0xb8: {  	(erf) = vrcp.f32 v9  }
0xb9: {  	v9 =	vld [tilespmem:s25+$0x15A40];
	(erf) = vpow2.f32 v7;
	_ =	sdelay $0x2  }
0xba: {  	v5 =	vadd.f32 v5, v6;
	_ =	sdelay $0x1  }
0xbb: {  	v5 =	vadd.f32 v9, v5;
	_ =	sdelay $0x1  }
0xbc: {  	v5 =	vmul.f32 $4.999999890e-03, v5  }
0xbd: {  	v6 =	vpop (erf)  }
0xbe: {  	v5 =	vsub.f32 $0.0e+00, v5;
	v7 =	vpop (erf)  }
0xbf: {  	v7 =	vadd.f32 $1.000000000e+00, v7  }
0xc0: {  	v5 =	vmul.f32 $1.442695020e+00, v5  }
0xc1: {  	(erf) = vrcp.f32 v7  }
0xc2: {  	v7 =	vld [tilespmem:s25+$0x15A50];
	(erf) = vpow2.f32 v5;
	_ =	sdelay $0x2  }
0xc3: {  	v3 =	vadd.f32 v4, v3;
	_ =	sdelay $0x1  }
0xc4: {  	v3 =	vadd.f32 v7, v3;
	_ =	sdelay $0x1  }
0xc5: {  	v3 =	vmul.f32 $4.999999890e-03, v3  }
0xc6: {  	v4 =	vpop (erf)  }
0xc7: {  	v3 =	vsub.f32 $0.0e+00, v3;
	v5 =	vpop (erf)  }
0xc8: {  	v5 =	vadd.f32 $1.000000000e+00, v5  }
0xc9: {  	v3 =	vmul.f32 $1.442695020e+00, v3  }
0xca: {  	(erf) = vrcp.f32 v5  }
0xcb: {  	v5 =	vld [tilespmem:s25+$0x15A60];
	(erf) = vpow2.f32 v3;
	_ =	sdelay $0x2  }
0xcc: {  	v1 =	vadd.f32 v2, v1;
	_ =	sdelay $0x1  }
0xcd: {  	v1 =	vadd.f32 v5, v1;
	_ =	sdelay $0x1  }
0xce: {  	v1 =	vmul.f32 $4.999999890e-03, v1  }
0xcf: {  	v2 =	vpop (erf)  }
0xd0: {  	v1 =	vsub.f32 $0.0e+00, v1;
	v3 =	vpop (erf)  }
0xd1: {  	v3 =	vadd.f32 $1.000000000e+00, v3  }
0xd2: {  	v1 =	vmul.f32 $1.442695020e+00, v1  }
0xd3: {  	(erf) = vrcp.f32 v3  }
0xd4: {  	v3 =	vld [tilespmem:s25+$0x15A70];
	(erf) = vpow2.f32 v1;
	_ =	sdelay $0x4  }
0xd5: {  	v0 =	vadd.f32 v3, v0;
	_ =	sdelay $0x1  }
0xd6: {  	v0 =	vmul.f32 $4.999999890e-03, v0  }
0xd7: {  	v1 =	vpop (erf)  }
0xd8: {  	v0 =	vsub.f32 $0.0e+00, v0;
	v3 =	vpop (erf)  }
0xd9: {  	v3 =	vadd.f32 $1.000000000e+00, v3  }
0xda: {  	v0 =	vmul.f32 $1.442695020e+00, v0  }
0xdb: {  	(erf) = vrcp.f32 v3  }
0xdc: {  	(erf) = vpow2.f32 v0;
	_ =	sdelay $0x7  }
0xdd: {  	v0 =	vpop (erf)  }
0xde: {  	v3 =	vpop (erf)  }
0xdf: {  	v3 =	vadd.f32 $1.000000000e+00, v3;
	_ =	sdelay $0x1  }
0xe0: {  	(erf) = vrcp.f32 v3;
	_ =	sdelay $0x2  }
0xe1: {  	[tilespmem:$0x1BE00] =	vst v10  }
0xe2: {  	[tilespmem:$0x1BE10] =	vst v8  }
0xe3: {  	[tilespmem:$0x1BE20] =	vst v6  }
0xe4: {  	[tilespmem:$0x1BE30] =	vst v4  }
0xe5: {  	[tilespmem:$0x1BE40] =	vst v2  }
0xe6: {  	[tilespmem:$0x1BE50] =	vst v1  }
0xe7: {  	[tilespmem:$0x1BE60] =	vst v0;
	v0 =	vpop (erf)  }
0xe8: {  	s31 =	simm.s32 $0x0;
	[tilespmem:$0x1BE70] =	vst v0  }
0xe9: {  	[hbm4b:s10+s31] =	stream.linear.scatter [tilespmem:s22], [sflag:$0x4], $0x80, $0x38;
	[tilespmem:$0x1BE80] =	vst v63  }
0xea: {  	_ =	swait.ge [sflag:s23], $0x80  }
0xeb: {  	[sflag:s23] =	ssyncset.done $0x0  }
0xec: {  	[sflag:s23] =	ssyncadd.s32 $0xFFFFFF80  }
0xed: {  	_ =	swait.ge [sflag:s18], $0x6400  }
0xee: {  	[sflag:s18] =	ssyncset.done $0x0  }
0xef: {  	[sflag:s18] =	ssyncadd.s32 $0xFFFF9C00  }
0xf0: {  	[tilespmem:s20], [sflag:$0x3] =	stream.indirect.gather [spmem:s2], $0x1, s16, s19, $0xb8;
	[tilespmem:$0x1BE80] =	vst v63  }
0xf1: {  	_ =	swait.ge [sflag:s21], $0x6400  }
0xf2: {  	[sflag:s21] =	ssyncset.done $0x0  }
0xf3: {  	s28 =	simm.s32 $0x0;
	[sflag:s21] =	ssyncadd.s32 $0xFFFF9C00  }
0xf4: {  	[tilespmem:s16], [sflag:$0x2] =	stream.linear.gather [hbm4b:s11+s31], $0x6400, $0x38;
	[tilespmem:$0x1BE80] =	vst v63  }
0xf5: {  	v0 =	vld [tilespmem:s28+$0x15A70]  }
0xf6: {  	v1 =	vld [tilespmem:s28+$0x15A00]  }
0xf7: {  	v2 =	vld [tilespmem:s28+$0x15A10]  }
0xf8: {  	v10 =	vld [tilespmem:s28+$0x15A20]  }
0xf9: {  	v8 =	vld [tilespmem:s28+$0x15A30]  }
0xfa: {  	v9 =	vimm.f32 $0.0e+00;
	v7 =	vimm.f32 $0.0e+00;
	v5 =	vld [tilespmem:s28+$0x15A40]  }
0xfb: {  	v6 =	vimm.f32 $0.0e+00;
	v3 =	vimm.f32 $0.0e+00;
	v4 =	vld [tilespmem:s28+$0x15A50];
	v0 =	vadd.f32 v0, v9  }
0xfc: {  	s26 =	simm.s32 $0x400;
	s25 =	simm.s32 $0x80;
	v12 =	vadd.f32 v1, v9;
	v11 =	vadd.f32 v2, v9;
	v2 =	vld [tilespmem:s28+$0x15A60];
	v1 =	vimm.f32 $0.0e+00  }
.LBB2_6:
0xfd: {  	p0 =	sne.s32 s26, $0x18E00;
	v13 =	vld [tilespmem:s25+$0x15A70];
	v9 =	vadd.f32 v10, v9  }
0xfe: {  	v14 =	vld [tilespmem:s25+$0x15A00];
	v7 =	vadd.f32 v8, v7  }
0xff: {  	v15 =	vld [tilespmem:s25+$0x15A10];
	v6 =	vadd.f32 v5, v6  }
.Ltmp2:
0x100: {  	v10 =	vld [tilespmem:s25+$0x15A20];
	v3 =	vadd.f32 v4, v3;
	(pc) =	sbr.rel @p0 .LBB2_6-.Ltmp2, $4  }
0x101: {  	v8 =	vld [tilespmem:s25+$0x15A30];
	v1 =	vadd.f32 v2, v1  }
0x102: {  	v5 =	vld [tilespmem:s25+$0x15A40];
	v0 =	vadd.f32 v13, v0  }
0x103: {  	v12 =	vadd.f32 v14, v12;
	v4 =	vld [tilespmem:s25+$0x15A50]  }
0x104: {  	v11 =	vadd.f32 v15, v11;
	v2 =	vld [tilespmem:s25+$0x15A60];
	s25 =	sshra.s32 s26, $0x2;
	s26 =	sadd.s32 $0x200, s26  }
0x105: {  	v13 =	vld [tilespmem:s25+$0x15A00];
	_ =	sdelay $0x4  }
0x106: {  	v12 =	vadd.f32 v13, v12;
	_ =	sdelay $0x1  }
0x107: {  	v12 =	vmul.f32 $4.999999890e-03, v12;
	_ =	sdelay $0x1  }
0x108: {  	v12 =	vsub.f32 $0.0e+00, v12;
	_ =	sdelay $0x1  }
0x109: {  	v12 =	vmul.f32 $1.442695020e+00, v12;
	_ =	sdelay $0x1  }
0x10a: {  	v13 =	vld [tilespmem:s25+$0x15A10];
	(erf) = vpow2.f32 v12;
	_ =	sdelay $0x4  }
0x10b: {  	v11 =	vadd.f32 v13, v11;
	_ =	sdelay $0x1  }
0x10c: {  	v11 =	vmul.f32 $4.999999890e-03, v11;
	_ =	sdelay $0x1  }
0x10d: {  	v11 =	vsub.f32 $0.0e+00, v11;
	v12 =	vpop (erf)  }
0x10e: {  	v12 =	vadd.f32 $1.000000000e+00, v12  }
0x10f: {  	v11 =	vmul.f32 $1.442695020e+00, v11  }
0x110: {  	(erf) = vrcp.f32 v12  }
0x111: {  	v12 =	vld [tilespmem:s25+$0x15A20];
	(erf) = vpow2.f32 v11;
	_ =	sdelay $0x2  }
0x112: {  	v9 =	vadd.f32 v10, v9;
	_ =	sdelay $0x1  }
0x113: {  	v9 =	vadd.f32 v12, v9;
	_ =	sdelay $0x1  }
0x114: {  	v9 =	vmul.f32 $4.999999890e-03, v9  }
0x115: {  	v10 =	vpop (erf)  }
0x116: {  	v9 =	vsub.f32 $0.0e+00, v9;
	v11 =	vpop (erf)  }
0x117: {  	v11 =	vadd.f32 $1.000000000e+00, v11  }
0x118: {  	v9 =	vmul.f32 $1.442695020e+00, v9  }
0x119: {  	(erf) = vrcp.f32 v11  }
0x11a: {  	v11 =	vld [tilespmem:s25+$0x15A30];
	(erf) = vpow2.f32 v9;
	_ =	sdelay $0x2  }
0x11b: {  	v7 =	vadd.f32 v8, v7;
	_ =	sdelay $0x1  }
0x11c: {  	v7 =	vadd.f32 v11, v7;
	_ =	sdelay $0x1  }
0x11d: {  	v7 =	vmul.f32 $4.999999890e-03, v7  }
0x11e: {  	v8 =	vpop (erf)  }
0x11f: {  	v7 =	vsub.f32 $0.0e+00, v7;
	v9 =	vpop (erf)  }
0x120: {  	v9 =	vadd.f32 $1.000000000e+00, v9  }
0x121: {  	v7 =	vmul.f32 $1.442695020e+00, v7  }
0x122: {  	(erf) = vrcp.f32 v9  }
0x123: {  	v9 =	vld [tilespmem:s25+$0x15A40];
	(erf) = vpow2.f32 v7;
	_ =	sdelay $0x2  }
0x124: {  	v5 =	vadd.f32 v5, v6;
	_ =	sdelay $0x1  }
0x125: {  	v5 =	vadd.f32 v9, v5;
	_ =	sdelay $0x1  }
0x126: {  	v5 =	vmul.f32 $4.999999890e-03, v5  }
0x127: {  	v6 =	vpop (erf)  }
0x128: {  	v5 =	vsub.f32 $0.0e+00, v5;
	v7 =	vpop (erf)  }
0x129: {  	v7 =	vadd.f32 $1.000000000e+00, v7  }
0x12a: {  	v5 =	vmul.f32 $1.442695020e+00, v5  }
0x12b: {  	(erf) = vrcp.f32 v7  }
0x12c: {  	v7 =	vld [tilespmem:s25+$0x15A50];
	(erf) = vpow2.f32 v5;
	_ =	sdelay $0x2  }
0x12d: {  	v3 =	vadd.f32 v4, v3;
	_ =	sdelay $0x1  }
0x12e: {  	v3 =	vadd.f32 v7, v3;
	_ =	sdelay $0x1  }
0x12f: {  	v3 =	vmul.f32 $4.999999890e-03, v3  }
0x130: {  	v4 =	vpop (erf)  }
0x131: {  	v3 =	vsub.f32 $0.0e+00, v3;
	v5 =	vpop (erf)  }
0x132: {  	v5 =	vadd.f32 $1.000000000e+00, v5  }
0x133: {  	v3 =	vmul.f32 $1.442695020e+00, v3  }
0x134: {  	(erf) = vrcp.f32 v5  }
0x135: {  	v5 =	vld [tilespmem:s25+$0x15A60];
	(erf) = vpow2.f32 v3;
	_ =	sdelay $0x2  }
0x136: {  	v1 =	vadd.f32 v2, v1;
	_ =	sdelay $0x1  }
0x137: {  	v1 =	vadd.f32 v5, v1;
	_ =	sdelay $0x1  }
0x138: {  	v1 =	vmul.f32 $4.999999890e-03, v1  }
0x139: {  	v2 =	vpop (erf)  }
0x13a: {  	v1 =	vsub.f32 $0.0e+00, v1;
	v3 =	vpop (erf)  }
0x13b: {  	v3 =	vadd.f32 $1.000000000e+00, v3  }
0x13c: {  	v1 =	vmul.f32 $1.442695020e+00, v1  }
0x13d: {  	(erf) = vrcp.f32 v3  }
0x13e: {  	v3 =	vld [tilespmem:s25+$0x15A70];
	(erf) = vpow2.f32 v1;
	_ =	sdelay $0x4  }
0x13f: {  	v0 =	vadd.f32 v3, v0;
	_ =	sdelay $0x1  }
0x140: {  	v0 =	vmul.f32 $4.999999890e-03, v0  }
0x141: {  	v1 =	vpop (erf)  }
0x142: {  	v0 =	vsub.f32 $0.0e+00, v0;
	v3 =	vpop (erf)  }
0x143: {  	v3 =	vadd.f32 $1.000000000e+00, v3  }
0x144: {  	v0 =	vmul.f32 $1.442695020e+00, v0  }
0x145: {  	(erf) = vrcp.f32 v3  }
0x146: {  	(erf) = vpow2.f32 v0;
	_ =	sdelay $0x7  }
0x147: {  	v0 =	vpop (erf)  }
0x148: {  	v3 =	vpop (erf)  }
0x149: {  	v3 =	vadd.f32 $1.000000000e+00, v3;
	_ =	sdelay $0x1  }
0x14a: {  	(erf) = vrcp.f32 v3;
	_ =	sdelay $0x2  }
0x14b: {  	[tilespmem:$0x1BE00] =	vst v10  }
0x14c: {  	[tilespmem:$0x1BE10] =	vst v8  }
0x14d: {  	[tilespmem:$0x1BE20] =	vst v6  }
0x14e: {  	[tilespmem:$0x1BE30] =	vst v4  }
0x14f: {  	[tilespmem:$0x1BE40] =	vst v2  }
0x150: {  	[tilespmem:$0x1BE50] =	vst v1  }
0x151: {  	[tilespmem:$0x1BE60] =	vst v0;
	v0 =	vpop (erf)  }
0x152: {  	s31 =	simm.s32 $0x0;
	[tilespmem:$0x1BE70] =	vst v0  }
0x153: {  	[hbm4b:s12+s31] =	stream.linear.scatter [tilespmem:s22], [sflag:$0x4], $0x80, $0x38;
	[tilespmem:$0x1BE80] =	vst v63  }
0x154: {  	_ =	swait.ge [sflag:s23], $0x80  }
0x155: {  	[sflag:s23] =	ssyncset.done $0x0  }
0x156: {  	[sflag:s23] =	ssyncadd.s32 $0xFFFFFF80  }
0x157: {  	_ =	swait.ge [sflag:s18], $0x6400  }
0x158: {  	[sflag:s18] =	ssyncset.done $0x0  }
0x159: {  	[sflag:s18] =	ssyncadd.s32 $0xFFFF9C00  }
0x15a: {  	[tilespmem:s20], [sflag:$0x3] =	stream.indirect.gather [spmem:s2], $0x1, s16, s19, $0xb8;
	[tilespmem:$0x1BE80] =	vst v63  }
0x15b: {  	_ =	swait.ge [sflag:s21], $0x6400  }
0x15c: {  	[sflag:s21] =	ssyncset.done $0x0  }
0x15d: {  	s28 =	simm.s32 $0x0;
	[sflag:s21] =	ssyncadd.s32 $0xFFFF9C00  }
0x15e: {  	v0 =	vld [tilespmem:s28+$0x15A70]  }
0x15f: {  	v1 =	vld [tilespmem:s28+$0x15A00]  }
0x160: {  	v2 =	vld [tilespmem:s28+$0x15A10]  }
0x161: {  	v10 =	vld [tilespmem:s28+$0x15A20]  }
0x162: {  	v8 =	vld [tilespmem:s28+$0x15A30]  }
0x163: {  	v9 =	vimm.f32 $0.0e+00;
	v7 =	vimm.f32 $0.0e+00;
	v5 =	vld [tilespmem:s28+$0x15A40]  }
0x164: {  	v6 =	vimm.f32 $0.0e+00;
	v3 =	vimm.f32 $0.0e+00;
	v4 =	vld [tilespmem:s28+$0x15A50];
	v0 =	vadd.f32 v0, v9  }
0x165: {  	s26 =	simm.s32 $0x400;
	s25 =	simm.s32 $0x80;
	v12 =	vadd.f32 v1, v9;
	v11 =	vadd.f32 v2, v9;
	v2 =	vld [tilespmem:s28+$0x15A60];
	v1 =	vimm.f32 $0.0e+00  }
.LBB2_8:
0x166: {  	p0 =	sne.s32 s26, $0x18E00;
	v13 =	vld [tilespmem:s25+$0x15A70];
	v9 =	vadd.f32 v10, v9  }
0x167: {  	v14 =	vld [tilespmem:s25+$0x15A00];
	v7 =	vadd.f32 v8, v7  }
0x168: {  	v15 =	vld [tilespmem:s25+$0x15A10];
	v6 =	vadd.f32 v5, v6  }
.Ltmp3:
0x169: {  	v10 =	vld [tilespmem:s25+$0x15A20];
	v3 =	vadd.f32 v4, v3;
	(pc) =	sbr.rel @p0 .LBB2_8-.Ltmp3, $4  }
0x16a: {  	v8 =	vld [tilespmem:s25+$0x15A30];
	v1 =	vadd.f32 v2, v1  }
0x16b: {  	v5 =	vld [tilespmem:s25+$0x15A40];
	v0 =	vadd.f32 v13, v0  }
0x16c: {  	v12 =	vadd.f32 v14, v12;
	v4 =	vld [tilespmem:s25+$0x15A50]  }
0x16d: {  	v11 =	vadd.f32 v15, v11;
	v2 =	vld [tilespmem:s25+$0x15A60];
	s25 =	sshra.s32 s26, $0x2;
	s26 =	sadd.s32 $0x200, s26  }
0x16e: {  	v13 =	vld [tilespmem:s25+$0x15A00];
	_ =	sdelay $0x4  }
0x16f: {  	v12 =	vadd.f32 v13, v12;
	_ =	sdelay $0x1  }
0x170: {  	v12 =	vmul.f32 $4.999999890e-03, v12;
	_ =	sdelay $0x1  }
0x171: {  	v12 =	vsub.f32 $0.0e+00, v12;
	_ =	sdelay $0x1  }
0x172: {  	v12 =	vmul.f32 $1.442695020e+00, v12;
	_ =	sdelay $0x1  }
0x173: {  	v47 =	vld [tilespmem:s25+$0x15A10];
	(erf) = vpow2.f32 v12;
	_ =	sdelay $0x4  }
0x174: {  	v11 =	vadd.f32 v47, v11;
	_ =	sdelay $0x1  }
0x175: {  	v11 =	vmul.f32 $4.999999890e-03, v11;
	_ =	sdelay $0x1  }
0x176: {  	v11 =	vsub.f32 $0.0e+00, v11;
	v12 =	vpop (erf)  }
0x177: {  	v12 =	vadd.f32 $1.000000000e+00, v12  }
0x178: {  	v11 =	vmul.f32 $1.442695020e+00, v11  }
0x179: {  	(erf) = vrcp.f32 v12  }
0x17a: {  	v48 =	vld [tilespmem:s25+$0x15A20];
	(erf) = vpow2.f32 v11;
	_ =	sdelay $0x2  }
0x17b: {  	v9 =	vadd.f32 v10, v9;
	_ =	sdelay $0x1  }
0x17c: {  	v9 =	vadd.f32 v48, v9;
	_ =	sdelay $0x1  }
0x17d: {  	v9 =	vmul.f32 $4.999999890e-03, v9  }
0x17e: {  	v49 =	vpop (erf)  }
0x17f: {  	v9 =	vsub.f32 $0.0e+00, v9;
	v11 =	vpop (erf)  }
0x180: {  	v11 =	vadd.f32 $1.000000000e+00, v11  }
0x181: {  	v9 =	vmul.f32 $1.442695020e+00, v9  }
0x182: {  	(erf) = vrcp.f32 v11  }
0x183: {  	v50 =	vld [tilespmem:s25+$0x15A30];
	(erf) = vpow2.f32 v9;
	_ =	sdelay $0x2  }
0x184: {  	v7 =	vadd.f32 v8, v7;
	_ =	sdelay $0x1  }
0x185: {  	v7 =	vadd.f32 v50, v7;
	_ =	sdelay $0x1  }
0x186: {  	v7 =	vmul.f32 $4.999999890e-03, v7  }
0x187: {  	v51 =	vpop (erf)  }
0x188: {  	v7 =	vsub.f32 $0.0e+00, v7;
	v9 =	vpop (erf)  }
0x189: {  	v9 =	vadd.f32 $1.000000000e+00, v9  }
0x18a: {  	v7 =	vmul.f32 $1.442695020e+00, v7  }
0x18b: {  	(erf) = vrcp.f32 v9  }
0x18c: {  	v52 =	vld [tilespmem:s25+$0x15A40];
	(erf) = vpow2.f32 v7;
	_ =	sdelay $0x2  }
0x18d: {  	v5 =	vadd.f32 v5, v6;
	_ =	sdelay $0x1  }
0x18e: {  	v5 =	vadd.f32 v52, v5;
	_ =	sdelay $0x1  }
0x18f: {  	v5 =	vmul.f32 $4.999999890e-03, v5  }
0x190: {  	v53 =	vpop (erf)  }
0x191: {  	v5 =	vsub.f32 $0.0e+00, v5;
	v7 =	vpop (erf)  }
0x192: {  	v7 =	vadd.f32 $1.000000000e+00, v7  }
0x193: {  	v5 =	vmul.f32 $1.442695020e+00, v5  }
0x194: {  	(erf) = vrcp.f32 v7  }
0x195: {  	v54 =	vld [tilespmem:s25+$0x15A50];
	(erf) = vpow2.f32 v5;
	_ =	sdelay $0x2  }
0x196: {  	v3 =	vadd.f32 v4, v3;
	_ =	sdelay $0x1  }
0x197: {  	v3 =	vadd.f32 v54, v3;
	_ =	sdelay $0x1  }
0x198: {  	v3 =	vmul.f32 $4.999999890e-03, v3  }
0x199: {  	v55 =	vpop (erf)  }
0x19a: {  	v3 =	vsub.f32 $0.0e+00, v3;
	v5 =	vpop (erf)  }
0x19b: {  	v5 =	vadd.f32 $1.000000000e+00, v5  }
0x19c: {  	v3 =	vmul.f32 $1.442695020e+00, v3  }
0x19d: {  	(erf) = vrcp.f32 v5  }
0x19e: {  	v56 =	vld [tilespmem:s25+$0x15A60];
	(erf) = vpow2.f32 v3;
	_ =	sdelay $0x2  }
0x19f: {  	v1 =	vadd.f32 v2, v1;
	_ =	sdelay $0x1  }
0x1a0: {  	v1 =	vadd.f32 v56, v1;
	_ =	sdelay $0x1  }
0x1a1: {  	v1 =	vmul.f32 $4.999999890e-03, v1  }
0x1a2: {  	v57 =	vpop (erf)  }
0x1a3: {  	v1 =	vsub.f32 $0.0e+00, v1;
	v3 =	vpop (erf)  }
0x1a4: {  	v3 =	vadd.f32 $1.000000000e+00, v3  }
0x1a5: {  	v1 =	vmul.f32 $1.442695020e+00, v1  }
0x1a6: {  	(erf) = vrcp.f32 v3  }
0x1a7: {  	v58 =	vld [tilespmem:s25+$0x15A70];
	(erf) = vpow2.f32 v1;
	_ =	sdelay $0x4  }
0x1a8: {  	v0 =	vadd.f32 v58, v0;
	_ =	sdelay $0x1  }
0x1a9: {  	v0 =	vmul.f32 $4.999999890e-03, v0  }
0x1aa: {  	v59 =	vpop (erf)  }
0x1ab: {  	v0 =	vsub.f32 $0.0e+00, v0;
	v60 =	vpop (erf)  }
0x1ac: {  	v3 =	vadd.f32 $1.000000000e+00, v60  }
0x1ad: {  	v0 =	vmul.f32 $1.442695020e+00, v0  }
0x1ae: {  	(erf) = vrcp.f32 v3  }
0x1af: {  	(erf) = vpow2.f32 v0;
	_ =	sdelay $0x7  }
0x1b0: {  	v61 =	vpop (erf)  }
0x1b1: {  	v62 =	vpop (erf)  }
0x1b2: {  	v3 =	vadd.f32 $1.000000000e+00, v62;
	_ =	sdelay $0x1  }
0x1b3: {  	(erf) = vrcp.f32 v3;
	_ =	sdelay $0x2  }
0x1b4: {  	[tilespmem:$0x1BE00] =	vst v49  }
0x1b5: {  	[tilespmem:$0x1BE10] =	vst v51  }
0x1b6: {  	[tilespmem:$0x1BE20] =	vst v53  }
0x1b7: {  	[tilespmem:$0x1BE30] =	vst v55  }
0x1b8: {  	[tilespmem:$0x1BE40] =	vst v57  }
0x1b9: {  	s24 =	sadd.s32 $0x1, s24;
	[tilespmem:$0x1BE50] =	vst v59  }
0x1ba: {  	p0 =	sne.s32 s24, s14;
	[tilespmem:$0x1BE60] =	vst v61;
	v63 =	vpop (erf)  }
.Ltmp4:
0x1bb: {  	[tilespmem:$0x1BE70] =	vst v63;
	(pc) =	sbr.rel @p0 .LBB2_1-.Ltmp4, $4  }
0x1bc: {  	[hbm4b:s13+s3] =	stream.linear.scatter [tilespmem:s22], [sflag:$0x4], $0x80, $0x38;
	[tilespmem:$0x1BE80] =	vst v63  }
0x1bd: {  	_ =	swait.ge [sflag:s23], $0x80  }
0x1be: {  	[sflag:s23] =	ssyncset.done $0x0  }
0x1bf: {  	[sflag:s23] =	ssyncadd.s32 $0xFFFFFF80  }
0x1c0: {  	_ =	sfence.sel $0x180000  }
0x1c1: {  	[bflag:$0x0] =	sbarrier.arrive $0xFFFF  }
0x1c2: {  	p0 =	sne.s32 s1, $0x0;
	_ =	strace $0x90000047  }
0x1c3: {  	s0 =	sadd.s32 @!p0 $0x100000, s0;
	[bflag:$0x2] =	sbarrier.arrive $0xFFFF  }
0x1c4: {  	[sflag:s0] =	ssyncadd.tile.s32 @!p0 $0x1;
	_ =	shalt  }
.Lfunc_end2:
_tile_overlayer_lowered:
.L_overlay_start_2:
0x1c5: {  	(tag) =	ssettag $0x2  }
0x1c6: {  	s0 =	rddreg [dreg:$0x0];
	s2 =	stileid.u32  }
0x1c7: {  	s1 =	rddreg [dreg:$0x1];
	p0 =	sne.s32 s2, $0x0  }
0x1c8: {  	s3 =	rddreg [dreg:$0x2];
	[bflag:$0x3] =	sbarrier.arrive $0xFFFF;
	s2 =	simm.s32 @!p0 $0x1C04  }
0x1c9: {  	[timem:s3], [sflag:s2] =	dma.local @!p0 [hbm:s0], s1  }
0x1ca: {  	s0 =	simm.s32 @!p0 $0x4  }
0x1cb: {  	_ =	swait.ge @!p0 [sflag:s0], s1  }
0x1cc: {  	s1 =	ssub.s32 @!p0 $0x0, s1;
	[sflag:s0] =	ssyncset.done @!p0 $0x0  }
0x1cd: {  	[sflag:s0] =	ssyncadd.s32 @!p0 s1  }
0x1ce: {  	[bflag:$0x3] =	sbarrier.arrive $0xFFFF  }
0x1cf: {  	_ =	shalt  }

</sc_bundles>
